<compile_context>
chip_gen: v7x
topology: tpu7x:2x2x1
jax: 0.10.2.dev20260603
libtpu: 0.0.44.dev20260713+nightly
codegen_flags: <defaults>
</compile_context>

<pallas_src>
import jax
import jax.numpy as jnp
from jax import lax
from jax.experimental import pallas as pl

C = 192
H = 8
HD = C // H
IMG = 224
N = IMG * IMG
R = 8
T = R * IMG
NT = IMG // R
PAD = 8
W_EXT = T + 2 * IMG + 2 * PAD
CP = 256
NEG = -1e30

F32 = jnp.float32
BF16 = jnp.bfloat16


def _bdot(a, b):
    return jnp.dot(a, b, preferred_element_type=F32)


def _pass1_kernel(xc_ref, xt_ref, xb_ref, wlt_ref, bl_ref, wqt_ref, w9_ref,
                  wg1t_ref, bg1_ref, wg2_ref, bg2_ref,
                  q_ref, k_ref, v_ref, sqq_ref, sqk_ref, gs_ref):
    i = pl.program_id(0)
    zpad = jnp.zeros((PAD, C), BF16)
    xe = jnp.concatenate([zpad, xt_ref[...].astype(BF16),
                          xc_ref[...].astype(BF16),
                          xb_ref[...].astype(BF16), zpad], axis=0)
    x1 = _bdot(xe, wlt_ref[...]) + bl_ref[...]
    pre = _bdot(x1.astype(BF16), wqt_ref[...])
    rows = lax.broadcasted_iota(jnp.int32, (W_EXT, 1), 0)
    top_ok = (rows >= PAD + IMG) | (i > 0)
    bot_ok = (rows < W_EXT - PAD - IMG) | (i < NT - 1)
    pad_ok = (rows >= PAD) & (rows < W_EXT - PAD)
    pre = pre * (top_ok & bot_ok & pad_ok).astype(F32)

    preb = pre.astype(BF16).astype(F32)
    shift = {dx: preb[PAD + dx:PAD + dx + T + 2 * IMG, :] for dx in (-1, 0, 1)}
    col = lax.broadcasted_iota(jnp.int32, (T, 1), 0) % IMG
    lm = (col != 0).astype(F32)
    rm = (col != IMG - 1).astype(F32)
    w9 = w9_ref[...]

    def tap(dy, dx):
        j = (dy + 1) * 3 + (dx + 1)
        s = IMG + dy * IMG
        t = w9[j:j + 1, :] * shift[dx][s:s + T, :]
        if dx == -1:
            t = t * lm
        elif dx == 1:
            t = t * rm
        return t

    y = tap(-1, -1)
    for dy, dx in [(-1, 0), (-1, 1), (0, -1), (0, 0), (0, 1),
                   (1, -1), (1, 0), (1, 1)]:
        y = y + tap(dy, dx)

    q = y[:, 0:C]
    k = y[:, CP:CP + C]
    q_ref[...] = q
    k_ref[...] = k
    v_ref[...] = y[:, 2 * CP:2 * CP + C]

    x1c = x1[PAD + IMG:PAD + IMG + T, :]
    g1 = jnp.maximum(_bdot(x1c.astype(BF16), wg1t_ref[...]) + bg1_ref[...], 0.0)
    g2 = jax.nn.sigmoid(
        jnp.sum(wg2_ref[...].astype(F32) * g1.astype(BF16).astype(F32),
                axis=1, keepdims=True) + bg2_ref[...])

    @pl.when(i == 0)
    def _init():
        sqq_ref[...] = jnp.zeros_like(sqq_ref)
        sqk_ref[...] = jnp.zeros_like(sqk_ref)
        gs_ref[...] = jnp.zeros_like(gs_ref)

    sqq_ref[...] += jnp.sum(q * q, axis=0, keepdims=True)
    sqk_ref[...] += jnp.sum(k * k, axis=0, keepdims=True)
    gs_ref[...] += jnp.sum(g2, keepdims=True)


def _gram_kernel(q_ref, k_ref, sqq_ref, sqk_ref, g_ref):
    i = pl.program_id(0)
    nq = jnp.maximum(jnp.sqrt(sqq_ref[...]), 1e-12)
    nk = jnp.maximum(jnp.sqrt(sqk_ref[...]), 1e-12)
    qn = (q_ref[...] / nq).astype(BF16)
    kn = (k_ref[...] / nk).astype(BF16)

    @pl.when(i == 0)
    def _init():
        g_ref[...] = jnp.zeros_like(g_ref)

    g_ref[...] += lax.dot_general(qn, kn, (((0,), (0,)), ((), ())),
                                  preferred_element_type=F32)


def _mask_kernel(g_ref, gs_ref, tv_ref, a_ref):
    attn = g_ref[...] * tv_ref[...]
    blocks = [attn[h * HD:(h + 1) * HD, h * HD:(h + 1) * HD] for h in range(H)]
    b = jnp.concatenate(blocks, axis=0)
    dkf = jnp.clip(jnp.floor(HD * gs_ref[0, 0] / N), 1.0, float(HD))
    bd = b[:, :, None]
    be = b[:, None, :]
    ie = lax.broadcasted_iota(jnp.int32, (C, HD, HD), 2)
    idx = lax.broadcasted_iota(jnp.int32, (C, HD, HD), 1)
    gt = (be > bd).astype(F32)
    eq = ((be == bd) & (ie < idx)).astype(F32)
    rank = jnp.sum(gt + eq, axis=2)
    keep = rank < dkf
    keepf = keep.astype(F32)
    bm = jnp.where(keep, b, NEG)
    m = jnp.max(bm, axis=1, keepdims=True)
    e = jnp.exp(bm - m) * keepf
    s = jnp.sum(e, axis=1, keepdims=True)
    a = e / s
    at = jnp.concatenate([a.T] * H, axis=0)
    ic = lax.broadcasted_iota(jnp.int32, (C, C), 0) // HD
    jc = lax.broadcasted_iota(jnp.int32, (C, C), 1) // HD
    a_ref[...] = jnp.where(ic == jc, at, 0.0)


def _out_kernel(at_ref, v_ref, a1_ref, a2_ref, a3_ref, a4_ref, o_ref):
    o = _bdot(v_ref[...].astype(BF16), at_ref[...].astype(BF16))
    o_ref[...] = (o * a1_ref[0, 0] + o * a2_ref[0, 0]
                  + o * a3_ref[0, 0] + o * a4_ref[0, 0])


def kernel(x, W_lin0, b_lin0, W_qkv, W_dw, W_g1, b_g1, W_g2, b_g2,
           temperature, attn1, attn2, attn3, attn4):
    xt = jnp.transpose(x.reshape(C, N))
    wlt = jnp.transpose(W_lin0).astype(BF16)
    wq3 = W_qkv.reshape(3, C, C)
    wqt = jnp.zeros((C, 3 * CP), F32)
    w9p = jnp.zeros((9, 3 * CP), F32)
    wdw9 = jnp.transpose(W_dw.reshape(3 * C, 9))
    for part in range(3):
        wqt = wqt.at[:, part * CP:part * CP + C].set(jnp.transpose(wq3[part]))
        w9p = w9p.at[:, part * CP:part * CP + C].set(
            wdw9[:, part * C:(part + 1) * C])
    wqt = wqt.astype(BF16)
    wg1t = jnp.transpose(W_g1).astype(BF16)
    wg2 = W_g2.reshape(1, C // 2).astype(BF16)
    blin = b_lin0.reshape(1, C)
    bg1 = b_g1.reshape(1, C // 2)
    bg2 = b_g2.reshape(1, 1)
    tv = jnp.repeat(temperature.reshape(H, 1), HD, axis=0)
    sc = lambda a: a.reshape(1, 1)

    full = lambda s: pl.BlockSpec(s, lambda i: (0, 0))
    tile = pl.BlockSpec((T, C), lambda i: (i, 0))
    q, k, v, sqq, sqk, gs = pl.pallas_call(
        _pass1_kernel,
        grid=(NT,),
        in_specs=[
            tile,
            pl.BlockSpec((IMG, C), lambda i: (jnp.maximum(i * R - 1, 0), 0)),
            pl.BlockSpec((IMG, C), lambda i: (jnp.minimum((i + 1) * R, IMG - 1), 0)),
            full((C, C)),
            full((1, C)),
            full((C, 3 * CP)),
            full((9, 3 * CP)),
            full((C, C // 2)),
            full((1, C // 2)),
            full((1, C // 2)),
            full((1, 1)),
        ],
        out_specs=[tile, tile, tile, full((1, C)), full((1, C)), full((1, 1))],
        out_shape=[
            jax.ShapeDtypeStruct((N, C), F32),
            jax.ShapeDtypeStruct((N, C), F32),
            jax.ShapeDtypeStruct((N, C), F32),
            jax.ShapeDtypeStruct((1, C), F32),
            jax.ShapeDtypeStruct((1, C), F32),
            jax.ShapeDtypeStruct((1, 1), F32),
        ],
    )(xt, xt, xt, wlt, blin, wqt, w9p, wg1t, bg1, wg2, bg2)

    g = pl.pallas_call(
        _gram_kernel,
        grid=(NT,),
        in_specs=[tile, tile, full((1, C)), full((1, C))],
        out_specs=full((C, C)),
        out_shape=jax.ShapeDtypeStruct((C, C), F32),
    )(q, k, sqq, sqk)

    a_t = pl.pallas_call(
        _mask_kernel,
        out_shape=jax.ShapeDtypeStruct((C, C), F32),
    )(g, gs, tv)

    o = pl.pallas_call(
        _out_kernel,
        grid=(NT,),
        in_specs=[full((C, C)), tile, full((1, 1)), full((1, 1)),
                  full((1, 1)), full((1, 1))],
        out_specs=tile,
        out_shape=jax.ShapeDtypeStruct((N, C), F32),
    )(a_t, v, sc(attn1), sc(attn2), sc(attn3), sc(attn4))

    return jnp.transpose(o).reshape(1, C, IMG, IMG)

# --- scband reference (transcript-rebuilt; emitter-appended) ---
"""Pipeline reference for scband-spcsa-3015067042105 (READ-ONLY COPY).

The authoritative reference and input builder live on the scoring server;
editing this copy changes nothing except your own understanding.
"""

import jax, jax.numpy as jnp
import numpy as np

DIM = 192
HEADS = 8

def conv1x1(x, W, b=None):
    y = jnp.einsum('oi,bihw->bohw', W, x)
    if b is not None:
        y = y + b[None, :, None, None]
    return y

def setup_inputs(seed: int = 0):
    key = jax.random.key(seed)
    ks = jax.random.split(key, 8)
    x = jax.random.normal(ks[0], (1, DIM, 224, 224), dtype=jnp.float32)
    W_lin0 = jax.random.normal(ks[1], (DIM, DIM), dtype=jnp.float32) * 0.05
    b_lin0 = jnp.zeros((DIM,), dtype=jnp.float32)
    W_qkv = jax.random.normal(ks[2], (3 * DIM, DIM), dtype=jnp.float32) * 0.05
    W_dw = jax.random.normal(ks[3], (3 * DIM, 1, 3, 3), dtype=jnp.float32) * 0.1
    W_g1 = jax.random.normal(ks[4], (DIM // 2, DIM), dtype=jnp.float32) * 0.05
    b_g1 = jnp.zeros((DIM // 2,), dtype=jnp.float32)
    W_g2 = jax.random.normal(ks[5], (1, DIM // 2), dtype=jnp.float32) * 0.05
    b_g2 = jnp.zeros((1,), dtype=jnp.float32)
    temperature = jnp.ones((HEADS, 1, 1), dtype=jnp.float32)
    attn1 = jnp.array([0.2], dtype=jnp.float32)
    attn2 = jnp.array([0.2], dtype=jnp.float32)
    attn3 = jnp.array([0.2], dtype=jnp.float32)
    attn4 = jnp.array([0.2], dtype=jnp.float32)
    return {"x": x, "W_lin0": W_lin0, "b_lin0": b_lin0, "W_qkv": W_qkv, "W_dw": W_dw,
            "W_g1": W_g1, "b_g1": b_g1, "W_g2": W_g2, "b_g2": b_g2,
            "temperature": temperature, "attn1": attn1, "attn2": attn2, "attn3": attn3, "attn4": attn4}

def reference(x, W_lin0, b_lin0, W_qkv, W_dw, W_g1, b_g1, W_g2, b_g2, temperature, attn1, attn2, attn3, attn4):
    b, c, h, w = x.shape
    x = conv1x1(x, W_lin0, b_lin0)
    qkv = conv1x1(x, W_qkv)
    qkv = jax.lax.conv_general_dilated(qkv, W_dw, window_strides=(1, 1),
                                       padding=((1, 1), (1, 1)),
                                       dimension_numbers=('NCHW', 'OIHW', 'NCHW'),
                                       feature_group_count=3 * c)
    q, k, v = qkv[:, :c], qkv[:, c:2 * c], qkv[:, 2 * c:]
    hd = c // HEADS
    q = q.reshape(b, HEADS, hd, h * w)
    k = k.reshape(b, HEADS, hd, h * w)
    v = v.reshape(b, HEADS, hd, h * w)
    q = q / jnp.maximum(jnp.linalg.norm(q, axis=-1, keepdims=True), 1e-12)
    k = k / jnp.maximum(jnp.linalg.norm(k, axis=-1, keepdims=True), 1e-12)
    g = jax.nn.sigmoid(conv1x1(jax.nn.relu(conv1x1(x, W_g1, b_g1)), W_g2, b_g2))
    dyn_k = jnp.clip(jnp.floor(hd * jnp.mean(g)).astype(jnp.int32), 1, hd)
    attn = jnp.einsum('bhcn,bhdn->bhcd', q, k) * temperature
    idx = jax.lax.top_k(attn, hd)[1]
    keep = (jnp.arange(hd) < dyn_k).astype(attn.dtype)
    mask = (jax.nn.one_hot(idx, hd, dtype=attn.dtype) * keep[:, None]).sum(axis=-2)
    attn = jnp.where(mask > 0, attn, -jnp.inf)
    attn = jax.nn.softmax(attn, axis=-1)
    o = jnp.einsum('bhcd,bhdn->bhcn', attn, v)
    out = o * attn1 + o * attn2 + o * attn3 + o * attn4
    out = out.reshape(b, c, h, w)
    return out

if __name__ == "__main__":
    import jax
    _d = setup_inputs()
    print(jax.jit(kernel)(*tuple(_d.values())))

</pallas_src>

<mosaic_0001>
module attributes {stable_mosaic.version = 14 : i64} {
  func.func @_pass1_kernel(%arg0: i32, %arg1: memref<1792x192xf32, #tpu.memory_space<vmem>>, %arg2: memref<224x192xf32, #tpu.memory_space<vmem>>, %arg3: memref<224x192xf32, #tpu.memory_space<vmem>>, %arg4: memref<192x192xbf16, #tpu.memory_space<vmem>>, %arg5: memref<1x192xf32, #tpu.memory_space<vmem>>, %arg6: memref<192x768xbf16, #tpu.memory_space<vmem>>, %arg7: memref<9x768xf32, #tpu.memory_space<vmem>>, %arg8: memref<192x96xbf16, #tpu.memory_space<vmem>>, %arg9: memref<1x96xf32, #tpu.memory_space<vmem>>, %arg10: memref<1x96xbf16, #tpu.memory_space<vmem>>, %arg11: memref<1x1xf32, #tpu.memory_space<vmem>>, %arg12: memref<1792x192xf32, #tpu.memory_space<vmem>>, %arg13: memref<1792x192xf32, #tpu.memory_space<vmem>>, %arg14: memref<1792x192xf32, #tpu.memory_space<vmem>>, %arg15: memref<1x192xf32, #tpu.memory_space<vmem>>, %arg16: memref<1x192xf32, #tpu.memory_space<vmem>>, %arg17: memref<1x1xf32, #tpu.memory_space<vmem>>) attributes {dimension_semantics = [#tpu.dimension_semantics<arbitrary>], iteration_bounds = array<i64: 28>, scalar_prefetch = 0 : i64, scratch_operands = 0 : i64, tpu.core_type = #tpu.core_type<tc>, window_params = [{transform_indices = @transform_0, window_bounds = array<i64: 1792, 192>}, {transform_indices = @transform_1, window_bounds = array<i64: 224, 192>}, {transform_indices = @transform_2, window_bounds = array<i64: 224, 192>}, {pipeline_mode = #tpu.pipeline_mode<synchronous>, transform_indices = @transform_3, window_bounds = array<i64: 192, 192>}, {pipeline_mode = #tpu.pipeline_mode<synchronous>, transform_indices = @transform_4, window_bounds = array<i64: 1, 192>}, {pipeline_mode = #tpu.pipeline_mode<synchronous>, transform_indices = @transform_5, window_bounds = array<i64: 192, 768>}, {pipeline_mode = #tpu.pipeline_mode<synchronous>, transform_indices = @transform_6, window_bounds = array<i64: 9, 768>}, {pipeline_mode = #tpu.pipeline_mode<synchronous>, transform_indices = @transform_7, window_bounds = array<i64: 192, 96>}, {pipeline_mode = #tpu.pipeline_mode<synchronous>, transform_indices = @transform_8, window_bounds = array<i64: 1, 96>}, {pipeline_mode = #tpu.pipeline_mode<synchronous>, transform_indices = @transform_9, window_bounds = array<i64: 1, 96>}, {pipeline_mode = #tpu.pipeline_mode<synchronous>, transform_indices = @transform_10, window_bounds = array<i64: 1, 1>}, {transform_indices = @transform_11, window_bounds = array<i64: 1792, 192>}, {transform_indices = @transform_12, window_bounds = array<i64: 1792, 192>}, {transform_indices = @transform_13, window_bounds = array<i64: 1792, 192>}, {pipeline_mode = #tpu.pipeline_mode<synchronous>, transform_indices = @transform_14, window_bounds = array<i64: 1, 192>}, {pipeline_mode = #tpu.pipeline_mode<synchronous>, transform_indices = @transform_15, window_bounds = array<i64: 1, 192>}, {pipeline_mode = #tpu.pipeline_mode<synchronous>, transform_indices = @transform_16, window_bounds = array<i64: 1, 1>}]} {
    %broadcast_in_dim3A = arith.constant 0.000000e+00 : bf16
    %broadcast_in_dim3A_0 = vector.broadcast %broadcast_in_dim3A : bf16 to vector<8x192xbf16>
    %get3A = arith.constant 0 : index
    %get3A_1 = arith.constant 0 : index
    %get3A_2 = vector.load %arg2[%get3A, %get3A_1] : memref<224x192xf32, #tpu.memory_space<vmem>>, vector<224x192xf32>
    %convert_element_type3A = arith.truncf %get3A_2 : vector<224x192xf32> to vector<224x192xbf16>
    %get3A_3 = arith.constant 0 : index
    %get3A_4 = arith.constant 0 : index
    %get3A_5 = vector.load %arg1[%get3A_3, %get3A_4] : memref<1792x192xf32, #tpu.memory_space<vmem>>, vector<1792x192xf32>
    %convert_element_type3A_6 = arith.truncf %get3A_5 : vector<1792x192xf32> to vector<1792x192xbf16>
    %get3A_7 = arith.constant 0 : index
    %get3A_8 = arith.constant 0 : index
    %get3A_9 = vector.load %arg3[%get3A_7, %get3A_8] : memref<224x192xf32, #tpu.memory_space<vmem>>, vector<224x192xf32>
    %convert_element_type3A_10 = arith.truncf %get3A_9 : vector<224x192xf32> to vector<224x192xbf16>
    %concatenate3A = tpu.concatenate %broadcast_in_dim3A_0, %convert_element_type3A, %convert_element_type3A_6, %convert_element_type3A_10, %broadcast_in_dim3A_0 in 0 : vector<8x192xbf16>, vector<224x192xbf16>, vector<1792x192xbf16>, vector<224x192xbf16>, vector<8x192xbf16> -> vector<2256x192xbf16>
    %get3A_11 = arith.constant 0 : index
    %get3A_12 = arith.constant 0 : index
    %get3A_13 = vector.load %arg4[%get3A_11, %get3A_12] : memref<192x192xbf16, #tpu.memory_space<vmem>>, vector<192x192xbf16>
    %dot_general3A = arith.constant dense<0.000000e+00> : vector<2256x192xf32>
    %dot_general3A_14 = tpu.matmul %concatenate3A, %get3A_13, %dot_general3A {dimension_numbers = #tpu.dot_dimension_numbers<[1], [0], [0], [1], [0, 0, 1, 1], [], []>, transpose_lhs_hint = false} : vector<2256x192xbf16>, vector<192x192xbf16>, vector<2256x192xf32> -> vector<2256x192xf32>
    %get3A_15 = arith.constant 0 : index
    %get3A_16 = arith.constant 0 : index
    %get3A_17 = vector.load %arg5[%get3A_15, %get3A_16] : memref<1x192xf32, #tpu.memory_space<vmem>>, vector<1x192xf32>
    %add3A = vector.broadcast %get3A_17 : vector<1x192xf32> to vector<2256x192xf32>
    %add3A_18 = arith.addf %dot_general3A_14, %add3A : vector<2256x192xf32>
    %convert_element_type3A_19 = arith.truncf %add3A_18 : vector<2256x192xf32> to vector<2256x192xbf16>
    %get3A_20 = arith.constant 0 : index
    %get3A_21 = arith.constant 0 : index
    %get3A_22 = vector.load %arg6[%get3A_20, %get3A_21] : memref<192x768xbf16, #tpu.memory_space<vmem>>, vector<192x768xbf16>
    %dot_general3A_23 = arith.constant dense<0.000000e+00> : vector<2256x768xf32>
    %dot_general3A_24 = tpu.matmul %convert_element_type3A_19, %get3A_22, %dot_general3A_23 {dimension_numbers = #tpu.dot_dimension_numbers<[1], [0], [0], [1], [0, 0, 1, 1], [], []>, transpose_lhs_hint = false} : vector<2256x192xbf16>, vector<192x768xbf16>, vector<2256x768xf32> -> vector<2256x768xf32>
    %iota3A = tpu.iota {dimensions = array<i32: 0>} : vector<2256x1xi32>
    %ge3A = arith.constant 232 : i32
    %ge3A_25 = vector.broadcast %ge3A : i32 to vector<2256x1xi32>
    %ge3A_26 = arith.cmpi sge, %iota3A, %ge3A_25 : vector<2256x1xi32>
    %gt3A = arith.constant 0 : i32
    %gt3A_27 = arith.cmpi sgt, %arg0, %gt3A : i32
    %or3A = vector.broadcast %gt3A_27 : i1 to vector<2256x1xi1>
    %or3A_28 = arith.ori %ge3A_26, %or3A : vector<2256x1xi1>
    %lt3A = arith.constant 2024 : i32
    %lt3A_29 = vector.broadcast %lt3A : i32 to vector<2256x1xi32>
    %lt3A_30 = arith.cmpi slt, %iota3A, %lt3A_29 : vector<2256x1xi32>
    %lt3A_31 = arith.constant 27 : i32
    %lt3A_32 = arith.cmpi slt, %arg0, %lt3A_31 : i32
    %or3A_33 = vector.broadcast %lt3A_32 : i1 to vector<2256x1xi1>
    %or3A_34 = arith.ori %lt3A_30, %or3A_33 : vector<2256x1xi1>
    %ge3A_35 = arith.constant 8 : i32
    %ge3A_36 = vector.broadcast %ge3A_35 : i32 to vector<2256x1xi32>
    %ge3A_37 = arith.cmpi sge, %iota3A, %ge3A_36 : vector<2256x1xi32>
    %lt3A_38 = arith.constant 2248 : i32
    %lt3A_39 = vector.broadcast %lt3A_38 : i32 to vector<2256x1xi32>
    %lt3A_40 = arith.cmpi slt, %iota3A, %lt3A_39 : vector<2256x1xi32>
    %and3A = arith.andi %ge3A_37, %lt3A_40 : vector<2256x1xi1>
    %and3A_41 = arith.andi %or3A_28, %or3A_34 : vector<2256x1xi1>
    %and3A_42 = arith.andi %and3A_41, %and3A : vector<2256x1xi1>
    %convert_element_type3A_43 = arith.extui %and3A_42 : vector<2256x1xi1> to vector<2256x1xi32>
    %convert_element_type3A_44 = arith.sitofp %convert_element_type3A_43 : vector<2256x1xi32> to vector<2256x1xf32>
    %mul3A = vector.broadcast %convert_element_type3A_44 : vector<2256x1xf32> to vector<2256x768xf32>
    %mul3A_45 = arith.mulf %dot_general3A_24, %mul3A : vector<2256x768xf32>
    %convert_element_type3A_46 = arith.truncf %mul3A_45 : vector<2256x768xf32> to vector<2256x768xbf16>
    %convert_element_type3A_47 = arith.extf %convert_element_type3A_46 : vector<2256x768xbf16> to vector<2256x768xf32>
    %slice3A = vector.extract_strided_slice %convert_element_type3A_47 {offsets = [7, 0], sizes = [2240, 768], strides = [1, 1]} : vector<2256x768xf32> to vector<2240x768xf32>
    %slice3A_48 = vector.extract_strided_slice %convert_element_type3A_47 {offsets = [8, 0], sizes = [2240, 768], strides = [1, 1]} : vector<2256x768xf32> to vector<2240x768xf32>
    %slice3A_49 = vector.extract_strided_slice %convert_element_type3A_47 {offsets = [9, 0], sizes = [2240, 768], strides = [1, 1]} : vector<2256x768xf32> to vector<2240x768xf32>
    %iota3A_50 = tpu.iota {dimensions = array<i32: 0>} : vector<1792x1xi32>
    %jit3A = arith.constant 224 : i32
    %eq3A = arith.constant 0 : i32
    %eq3A_51 = arith.cmpi eq, %jit3A, %eq3A : i32
    %jit3A_52 = arith.constant 1 : i32
    %select_n3A = arith.select %eq3A_51, %jit3A_52, %jit3A : i32
    %rem3A = vector.broadcast %select_n3A : i32 to vector<1792x1xi32>
    %rem3A_53 = arith.remsi %iota3A_50, %rem3A : vector<1792x1xi32>
    %ne3A = arith.constant 0 : i32
    %ne3A_54 = vector.broadcast %ne3A : i32 to vector<1792x1xi32>
    %ne3A_55 = arith.cmpi ne, %rem3A_53, %ne3A_54 : vector<1792x1xi32>
    %lt3A_56 = arith.constant 0 : i32
    %lt3A_57 = vector.broadcast %lt3A_56 : i32 to vector<1792x1xi32>
    %lt3A_58 = arith.cmpi slt, %rem3A_53, %lt3A_57 : vector<1792x1xi32>
    %lt3A_59 = arith.constant 0 : i32
    %lt3A_60 = arith.cmpi slt, %select_n3A, %lt3A_59 : i32
    %ne3A_61 = vector.broadcast %lt3A_60 : i1 to vector<1792x1xi1>
    %ne3A_62 = vector.broadcast %ne3A_61 : vector<1792x1xi1> to vector<1792x1xi1>
    %ne3A_63 = arith.xori %lt3A_58, %ne3A_62 : vector<1792x1xi1>
    %and3A_64 = arith.andi %ne3A_63, %ne3A_55 : vector<1792x1xi1>
    %add3A_65 = vector.broadcast %select_n3A : i32 to vector<1792x1xi32>
    %add3A_66 = arith.addi %rem3A_53, %add3A_65 : vector<1792x1xi32>
    %select_n3A_67 = arith.select %and3A_64, %add3A_66, %rem3A_53 : vector<1792x1xi1>, vector<1792x1xi32>
    %ne3A_68 = arith.constant 0 : i32
    %ne3A_69 = vector.broadcast %ne3A_68 : i32 to vector<1792x1xi32>
    %ne3A_70 = arith.cmpi ne, %select_n3A_67, %ne3A_69 : vector<1792x1xi32>
    %convert_element_type3A_71 = arith.extui %ne3A_70 : vector<1792x1xi1> to vector<1792x1xi32>
    %convert_element_type3A_72 = arith.sitofp %convert_element_type3A_71 : vector<1792x1xi32> to vector<1792x1xf32>
    %ne3A_73 = arith.constant 223 : i32
    %ne3A_74 = vector.broadcast %ne3A_73 : i32 to vector<1792x1xi32>
    %ne3A_75 = arith.cmpi ne, %select_n3A_67, %ne3A_74 : vector<1792x1xi32>
    %convert_element_type3A_76 = arith.extui %ne3A_75 : vector<1792x1xi1> to vector<1792x1xi32>
    %convert_element_type3A_77 = arith.sitofp %convert_element_type3A_76 : vector<1792x1xi32> to vector<1792x1xf32>
    %get3A_78 = arith.constant 0 : index
    %get3A_79 = arith.constant 0 : index
    %get3A_80 = vector.load %arg7[%get3A_78, %get3A_79] : memref<9x768xf32, #tpu.memory_space<vmem>>, vector<9x768xf32>
    %slice3A_81 = vector.extract_strided_slice %get3A_80 {offsets = [0, 0], sizes = [1, 768], strides = [1, 1]} : vector<9x768xf32> to vector<1x768xf32>
    %slice3A_82 = vector.extract_strided_slice %slice3A {offsets = [0, 0], sizes = [1792, 768], strides = [1, 1]} : vector<2240x768xf32> to vector<1792x768xf32>
    %mul3A_83 = vector.broadcast %slice3A_81 : vector<1x768xf32> to vector<1792x768xf32>
    %mul3A_84 = arith.mulf %mul3A_83, %slice3A_82 : vector<1792x768xf32>
    %mul3A_85 = vector.broadcast %convert_element_type3A_72 : vector<1792x1xf32> to vector<1792x768xf32>
    %mul3A_86 = arith.mulf %mul3A_84, %mul3A_85 : vector<1792x768xf32>
    %slice3A_87 = vector.extract_strided_slice %get3A_80 {offsets = [1, 0], sizes = [1, 768], strides = [1, 1]} : vector<9x768xf32> to vector<1x768xf32>
    %slice3A_88 = vector.extract_strided_slice %slice3A_48 {offsets = [0, 0], sizes = [1792, 768], strides = [1, 1]} : vector<2240x768xf32> to vector<1792x768xf32>
    %mul3A_89 = vector.broadcast %slice3A_87 : vector<1x768xf32> to vector<1792x768xf32>
    %mul3A_90 = arith.mulf %mul3A_89, %slice3A_88 : vector<1792x768xf32>
    %add3A_91 = arith.addf %mul3A_86, %mul3A_90 : vector<1792x768xf32>
    %slice3A_92 = vector.extract_strided_slice %get3A_80 {offsets = [2, 0], sizes = [1, 768], strides = [1, 1]} : vector<9x768xf32> to vector<1x768xf32>
    %slice3A_93 = vector.extract_strided_slice %slice3A_49 {offsets = [0, 0], sizes = [1792, 768], strides = [1, 1]} : vector<2240x768xf32> to vector<1792x768xf32>
    %mul3A_94 = vector.broadcast %slice3A_92 : vector<1x768xf32> to vector<1792x768xf32>
    %mul3A_95 = arith.mulf %mul3A_94, %slice3A_93 : vector<1792x768xf32>
    %mul3A_96 = vector.broadcast %convert_element_type3A_77 : vector<1792x1xf32> to vector<1792x768xf32>
    %mul3A_97 = arith.mulf %mul3A_95, %mul3A_96 : vector<1792x768xf32>
    %add3A_98 = arith.addf %add3A_91, %mul3A_97 : vector<1792x768xf32>
    %slice3A_99 = vector.extract_strided_slice %get3A_80 {offsets = [3, 0], sizes = [1, 768], strides = [1, 1]} : vector<9x768xf32> to vector<1x768xf32>
    %slice3A_100 = vector.extract_strided_slice %slice3A {offsets = [224, 0], sizes = [1792, 768], strides = [1, 1]} : vector<2240x768xf32> to vector<1792x768xf32>
    %mul3A_101 = vector.broadcast %slice3A_99 : vector<1x768xf32> to vector<1792x768xf32>
    %mul3A_102 = arith.mulf %mul3A_101, %slice3A_100 : vector<1792x768xf32>
    %mul3A_103 = vector.broadcast %convert_element_type3A_72 : vector<1792x1xf32> to vector<1792x768xf32>
    %mul3A_104 = arith.mulf %mul3A_102, %mul3A_103 : vector<1792x768xf32>
    %add3A_105 = arith.addf %add3A_98, %mul3A_104 : vector<1792x768xf32>
    %slice3A_106 = vector.extract_strided_slice %get3A_80 {offsets = [4, 0], sizes = [1, 768], strides = [1, 1]} : vector<9x768xf32> to vector<1x768xf32>
    %slice3A_107 = vector.extract_strided_slice %slice3A_48 {offsets = [224, 0], sizes = [1792, 768], strides = [1, 1]} : vector<2240x768xf32> to vector<1792x768xf32>
    %mul3A_108 = vector.broadcast %slice3A_106 : vector<1x768xf32> to vector<1792x768xf32>
    %mul3A_109 = arith.mulf %mul3A_108, %slice3A_107 : vector<1792x768xf32>
    %add3A_110 = arith.addf %add3A_105, %mul3A_109 : vector<1792x768xf32>
    %slice3A_111 = vector.extract_strided_slice %get3A_80 {offsets = [5, 0], sizes = [1, 768], strides = [1, 1]} : vector<9x768xf32> to vector<1x768xf32>
    %slice3A_112 = vector.extract_strided_slice %slice3A_49 {offsets = [224, 0], sizes = [1792, 768], strides = [1, 1]} : vector<2240x768xf32> to vector<1792x768xf32>
    %mul3A_113 = vector.broadcast %slice3A_111 : vector<1x768xf32> to vector<1792x768xf32>
    %mul3A_114 = arith.mulf %mul3A_113, %slice3A_112 : vector<1792x768xf32>
    %mul3A_115 = vector.broadcast %convert_element_type3A_77 : vector<1792x1xf32> to vector<1792x768xf32>
    %mul3A_116 = arith.mulf %mul3A_114, %mul3A_115 : vector<1792x768xf32>
    %add3A_117 = arith.addf %add3A_110, %mul3A_116 : vector<1792x768xf32>
    %slice3A_118 = vector.extract_strided_slice %get3A_80 {offsets = [6, 0], sizes = [1, 768], strides = [1, 1]} : vector<9x768xf32> to vector<1x768xf32>
    %slice3A_119 = vector.extract_strided_slice %slice3A {offsets = [448, 0], sizes = [1792, 768], strides = [1, 1]} : vector<2240x768xf32> to vector<1792x768xf32>
    %mul3A_120 = vector.broadcast %slice3A_118 : vector<1x768xf32> to vector<1792x768xf32>
    %mul3A_121 = arith.mulf %mul3A_120, %slice3A_119 : vector<1792x768xf32>
    %mul3A_122 = vector.broadcast %convert_element_type3A_72 : vector<1792x1xf32> to vector<1792x768xf32>
    %mul3A_123 = arith.mulf %mul3A_121, %mul3A_122 : vector<1792x768xf32>
    %add3A_124 = arith.addf %add3A_117, %mul3A_123 : vector<1792x768xf32>
    %slice3A_125 = vector.extract_strided_slice %get3A_80 {offsets = [7, 0], sizes = [1, 768], strides = [1, 1]} : vector<9x768xf32> to vector<1x768xf32>
    %slice3A_126 = vector.extract_strided_slice %slice3A_48 {offsets = [448, 0], sizes = [1792, 768], strides = [1, 1]} : vector<2240x768xf32> to vector<1792x768xf32>
    %mul3A_127 = vector.broadcast %slice3A_125 : vector<1x768xf32> to vector<1792x768xf32>
    %mul3A_128 = arith.mulf %mul3A_127, %slice3A_126 : vector<1792x768xf32>
    %add3A_129 = arith.addf %add3A_124, %mul3A_128 : vector<1792x768xf32>
    %slice3A_130 = vector.extract_strided_slice %get3A_80 {offsets = [8, 0], sizes = [1, 768], strides = [1, 1]} : vector<9x768xf32> to vector<1x768xf32>
    %slice3A_131 = vector.extract_strided_slice %slice3A_49 {offsets = [448, 0], sizes = [1792, 768], strides = [1, 1]} : vector<2240x768xf32> to vector<1792x768xf32>
    %mul3A_132 = vector.broadcast %slice3A_130 : vector<1x768xf32> to vector<1792x768xf32>
    %mul3A_133 = arith.mulf %mul3A_132, %slice3A_131 : vector<1792x768xf32>
    %mul3A_134 = vector.broadcast %convert_element_type3A_77 : vector<1792x1xf32> to vector<1792x768xf32>
    %mul3A_135 = arith.mulf %mul3A_133, %mul3A_134 : vector<1792x768xf32>
    %add3A_136 = arith.addf %add3A_129, %mul3A_135 : vector<1792x768xf32>
    %slice3A_137 = vector.extract_strided_slice %add3A_136 {offsets = [0, 0], sizes = [1792, 192], strides = [1, 1]} : vector<1792x768xf32> to vector<1792x192xf32>
    %slice3A_138 = vector.extract_strided_slice %add3A_136 {offsets = [0, 256], sizes = [1792, 192], strides = [1, 1]} : vector<1792x768xf32> to vector<1792x192xf32>
    %swap3A = arith.constant 0 : index
    %swap3A_139 = arith.constant 0 : index
    %swap3A_140 = vector.load %arg12[%swap3A, %swap3A_139] : memref<1792x192xf32, #tpu.memory_space<vmem>>, vector<1792x192xf32>
    tpu.vector_store %arg12[%swap3A, %swap3A_139], %slice3A_137 {strides = array<i32>} : memref<1792x192xf32, #tpu.memory_space<vmem>>, vector<1792x192xf32>,
    %swap3A_141 = arith.constant 0 : index
    %swap3A_142 = arith.constant 0 : index
    %swap3A_143 = vector.load %arg13[%swap3A_141, %swap3A_142] : memref<1792x192xf32, #tpu.memory_space<vmem>>, vector<1792x192xf32>
    tpu.vector_store %arg13[%swap3A_141, %swap3A_142], %slice3A_138 {strides = array<i32>} : memref<1792x192xf32, #tpu.memory_space<vmem>>, vector<1792x192xf32>,
    %slice3A_144 = vector.extract_strided_slice %add3A_136 {offsets = [0, 512], sizes = [1792, 192], strides = [1, 1]} : vector<1792x768xf32> to vector<1792x192xf32>
    %swap3A_145 = arith.constant 0 : index
    %swap3A_146 = arith.constant 0 : index
    %swap3A_147 = vector.load %arg14[%swap3A_145, %swap3A_146] : memref<1792x192xf32, #tpu.memory_space<vmem>>, vector<1792x192xf32>
    tpu.vector_store %arg14[%swap3A_145, %swap3A_146], %slice3A_144 {strides = array<i32>} : memref<1792x192xf32, #tpu.memory_space<vmem>>, vector<1792x192xf32>,
    %slice3A_148 = vector.extract_strided_slice %add3A_18 {offsets = [232, 0], sizes = [1792, 192], strides = [1, 1]} : vector<2256x192xf32> to vector<1792x192xf32>
    %convert_element_type3A_149 = arith.truncf %slice3A_148 : vector<1792x192xf32> to vector<1792x192xbf16>
    %get3A_150 = arith.constant 0 : index
    %get3A_151 = arith.constant 0 : index
    %get3A_152 = vector.load %arg8[%get3A_150, %get3A_151] : memref<192x96xbf16, #tpu.memory_space<vmem>>, vector<192x96xbf16>
    %dot_general3A_153 = arith.constant dense<0.000000e+00> : vector<1792x96xf32>
    %dot_general3A_154 = tpu.matmul %convert_element_type3A_149, %get3A_152, %dot_general3A_153 {dimension_numbers = #tpu.dot_dimension_numbers<[1], [0], [0], [1], [0, 0, 1, 1], [], []>, transpose_lhs_hint = false} : vector<1792x192xbf16>, vector<192x96xbf16>, vector<1792x96xf32> -> vector<1792x96xf32>
    %get3A_155 = arith.constant 0 : index
    %get3A_156 = arith.constant 0 : index
    %get3A_157 = vector.load %arg9[%get3A_155, %get3A_156] : memref<1x96xf32, #tpu.memory_space<vmem>>, vector<1x96xf32>
    %add3A_158 = vector.broadcast %get3A_157 : vector<1x96xf32> to vector<1792x96xf32>
    %add3A_159 = arith.addf %dot_general3A_154, %add3A_158 : vector<1792x96xf32>
    %max3A = arith.constant 0.000000e+00 : f32
    %max3A_160 = vector.broadcast %max3A : f32 to vector<1792x96xf32>
    %max3A_161 = arith.maximumf %add3A_159, %max3A_160 : vector<1792x96xf32>
    %get3A_162 = arith.constant 0 : index
    %get3A_163 = arith.constant 0 : index
    %get3A_164 = vector.load %arg10[%get3A_162, %get3A_163] : memref<1x96xbf16, #tpu.memory_space<vmem>>, vector<1x96xbf16>
    %convert_element_type3A_165 = arith.extf %get3A_164 : vector<1x96xbf16> to vector<1x96xf32>
    %convert_element_type3A_166 = arith.truncf %max3A_161 : vector<1792x96xf32> to vector<1792x96xbf16>
    %convert_element_type3A_167 = arith.extf %convert_element_type3A_166 : vector<1792x96xbf16> to vector<1792x96xf32>
    %mul3A_168 = vector.broadcast %convert_element_type3A_165 : vector<1x96xf32> to vector<1792x96xf32>
    %mul3A_169 = arith.mulf %mul3A_168, %convert_element_type3A_167 : vector<1792x96xf32>
    %reduce_sum3A = arith.constant dense<0.000000e+00> : vector<1792xf32>
    %reduce_sum3A_170 = vector.multi_reduction <add>, %mul3A_169, %reduce_sum3A [1] : vector<1792x96xf32> to vector<1792xf32>
    %broadcast_in_dim3A_171 = vector.shape_cast %reduce_sum3A_170 : vector<1792xf32> to vector<1792x1xf32>
    %get3A_172 = arith.constant 0 : index
    %get3A_173 = arith.constant 0 : index
    %get3A_174 = vector.load %arg11[%get3A_172, %get3A_173] : memref<1x1xf32, #tpu.memory_space<vmem>>, vector<1x1xf32>
    %add3A_175 = vector.broadcast %get3A_174 : vector<1x1xf32> to vector<1792x1xf32>
    %add3A_176 = arith.addf %broadcast_in_dim3A_171, %add3A_175 : vector<1792x1xf32>
    %logistic3A = arith.negf %add3A_176 : vector<1792x1xf32>
    %logistic3A_177 = math.exp %logistic3A : vector<1792x1xf32>
    %logistic3A_178 = arith.constant 1.000000e+00 : f32
    %logistic3A_179 = vector.broadcast %logistic3A_178 : f32 to vector<1792x1xf32>
    %logistic3A_180 = arith.addf %logistic3A_179, %logistic3A_177 : vector<1792x1xf32>
    %logistic3A_181 = arith.divf %logistic3A_179, %logistic3A_180 : vector<1792x1xf32>
    %eq3A_182 = arith.constant 0 : i32
    %eq3A_183 = arith.cmpi eq, %arg0, %eq3A_182 : i32
    %convert_element_type3A_184 = arith.extui %eq3A_183 : i1 to i32
    %cond3A = arith.constant 0 : i32
    %cond3A_185 = arith.cmpi ne, %convert_element_type3A_184, %cond3A : i32
    scf.if %cond3A_185 {
      %broadcast_in_dim3A_221 = arith.constant 0.000000e+00 : f32
      %broadcast_in_dim3A_222 = vector.broadcast %broadcast_in_dim3A_221 : f32 to vector<1x192xf32>
      %swap3A_223 = arith.constant 0 : index
      %swap3A_224 = arith.constant 0 : index
      %swap3A_225 = vector.load %arg15[%swap3A_223, %swap3A_224] : memref<1x192xf32, #tpu.memory_space<vmem>>, vector<1x192xf32>
      tpu.vector_store %arg15[%swap3A_223, %swap3A_224], %broadcast_in_dim3A_222 {strides = array<i32>} : memref<1x192xf32, #tpu.memory_space<vmem>>, vector<1x192xf32>,
      %broadcast_in_dim3A_226 = arith.constant 0.000000e+00 : f32
      %broadcast_in_dim3A_227 = vector.broadcast %broadcast_in_dim3A_226 : f32 to vector<1x192xf32>
      %swap3A_228 = arith.constant 0 : index
      %swap3A_229 = arith.constant 0 : index
      %swap3A_230 = vector.load %arg16[%swap3A_228, %swap3A_229] : memref<1x192xf32, #tpu.memory_space<vmem>>, vector<1x192xf32>
      tpu.vector_store %arg16[%swap3A_228, %swap3A_229], %broadcast_in_dim3A_227 {strides = array<i32>} : memref<1x192xf32, #tpu.memory_space<vmem>>, vector<1x192xf32>,
      %broadcast_in_dim3A_231 = arith.constant 0.000000e+00 : f32
      %broadcast_in_dim3A_232 = vector.broadcast %broadcast_in_dim3A_231 : f32 to vector<1x1xf32>
      %swap3A_233 = arith.constant 0 : index
      %swap3A_234 = arith.constant 0 : index
      %swap3A_235 = vector.load %arg17[%swap3A_233, %swap3A_234] : memref<1x1xf32, #tpu.memory_space<vmem>>, vector<1x1xf32>
      tpu.vector_store %arg17[%swap3A_233, %swap3A_234], %broadcast_in_dim3A_232 {strides = array<i32>} : memref<1x1xf32, #tpu.memory_space<vmem>>, vector<1x1xf32>,
    } else {
    }
    %get3A_186 = arith.constant 0 : index
    %get3A_187 = arith.constant 0 : index
    %get3A_188 = vector.load %arg15[%get3A_186, %get3A_187] : memref<1x192xf32, #tpu.memory_space<vmem>>, vector<1x192xf32>
    %mul3A_189 = arith.mulf %slice3A_137, %slice3A_137 : vector<1792x192xf32>
    %reduce_sum3A_190 = arith.constant dense<0.000000e+00> : vector<192xf32>
    %reduce_sum3A_191 = vector.multi_reduction <add>, %mul3A_189, %reduce_sum3A_190 [0] : vector<1792x192xf32> to vector<192xf32>
    %broadcast_in_dim3A_192 = vector.shape_cast %reduce_sum3A_191 : vector<192xf32> to vector<1x192xf32>
    %add3A_193 = arith.addf %get3A_188, %broadcast_in_dim3A_192 : vector<1x192xf32>
    %swap3A_194 = arith.constant 0 : index
    %swap3A_195 = arith.constant 0 : index
    %swap3A_196 = vector.load %arg15[%swap3A_194, %swap3A_195] : memref<1x192xf32, #tpu.memory_space<vmem>>, vector<1x192xf32>
    tpu.vector_store %arg15[%swap3A_194, %swap3A_195], %add3A_193 {strides = array<i32>} : memref<1x192xf32, #tpu.memory_space<vmem>>, vector<1x192xf32>,
    %get3A_197 = arith.constant 0 : index
    %get3A_198 = arith.constant 0 : index
    %get3A_199 = vector.load %arg16[%get3A_197, %get3A_198] : memref<1x192xf32, #tpu.memory_space<vmem>>, vector<1x192xf32>
    %mul3A_200 = arith.mulf %slice3A_138, %slice3A_138 : vector<1792x192xf32>
    %reduce_sum3A_201 = arith.constant dense<0.000000e+00> : vector<192xf32>
    %reduce_sum3A_202 = vector.multi_reduction <add>, %mul3A_200, %reduce_sum3A_201 [0] : vector<1792x192xf32> to vector<192xf32>
    %broadcast_in_dim3A_203 = vector.shape_cast %reduce_sum3A_202 : vector<192xf32> to vector<1x192xf32>
    %add3A_204 = arith.addf %get3A_199, %broadcast_in_dim3A_203 : vector<1x192xf32>
    %swap3A_205 = arith.constant 0 : index
    %swap3A_206 = arith.constant 0 : index
    %swap3A_207 = vector.load %arg16[%swap3A_205, %swap3A_206] : memref<1x192xf32, #tpu.memory_space<vmem>>, vector<1x192xf32>
    tpu.vector_store %arg16[%swap3A_205, %swap3A_206], %add3A_204 {strides = array<i32>} : memref<1x192xf32, #tpu.memory_space<vmem>>, vector<1x192xf32>,
    %get3A_208 = arith.constant 0 : index
    %get3A_209 = arith.constant 0 : index
    %get3A_210 = vector.load %arg17[%get3A_208, %get3A_209] : memref<1x1xf32, #tpu.memory_space<vmem>>, vector<1x1xf32>
    %reduce_sum3A_211 = vector.shape_cast %logistic3A_181 : vector<1792x1xf32> to vector<1x1792x1xf32>
    %reduce_sum3A_212 = arith.constant dense<0.000000e+00> : vector<1xf32>
    %reduce_sum3A_213 = vector.multi_reduction <add>, %reduce_sum3A_211, %reduce_sum3A_212 [1, 2] : vector<1x1792x1xf32> to vector<1xf32>
    %reduce_sum3A_214 = vector.shape_cast %reduce_sum3A_213 : vector<1xf32> to vector<1x1x1xf32>
    %reduce_sum3A_215 = vector.extract %reduce_sum3A_214[0, 0, 0] : f32 from vector<1x1x1xf32>
    %broadcast_in_dim3A_216 = vector.broadcast %reduce_sum3A_215 : f32 to vector<1x1xf32>
    %add3A_217 = arith.addf %get3A_210, %broadcast_in_dim3A_216 : vector<1x1xf32>
    %swap3A_218 = arith.constant 0 : index
    %swap3A_219 = arith.constant 0 : index
    %swap3A_220 = vector.load %arg17[%swap3A_218, %swap3A_219] : memref<1x1xf32, #tpu.memory_space<vmem>>, vector<1x1xf32>
    tpu.vector_store %arg17[%swap3A_218, %swap3A_219], %add3A_217 {strides = array<i32>} : memref<1x1xf32, #tpu.memory_space<vmem>>, vector<1x1xf32>,
    return
  }
  func.func @transform_0(%arg0: i32) -> (i32, i32) {
    %c0_i32 = arith.constant 0 : i32
    %c0_i32_0 = arith.constant 0 : i32
    return %arg0, %c0_i32 : i32, i32
  }
  func.func @transform_1(%arg0: i32) -> (i32, i32) {
    %mul3A = arith.constant 8 : i32
    %mul3A_0 = arith.muli %arg0, %mul3A : i32
    %sub3A = arith.constant 1 : i32
    %sub3A_1 = arith.subi %mul3A_0, %sub3A : i32
    %max3A = arith.constant 0 : i32
    %max3A_2 = arith.maxsi %sub3A_1, %max3A : i32
    %c0_i32 = arith.constant 0 : i32
    %c0_i32_3 = arith.constant 0 : i32
    return %max3A_2, %c0_i32 : i32, i32
  }
  func.func @transform_2(%arg0: i32) -> (i32, i32) {
    %add3A = arith.constant 1 : i32
    %add3A_0 = arith.addi %arg0, %add3A : i32
    %mul3A = arith.constant 8 : i32
    %mul3A_1 = arith.muli %add3A_0, %mul3A : i32
    %min3A = arith.constant 223 : i32
    %min3A_2 = arith.minsi %mul3A_1, %min3A : i32
    %c0_i32 = arith.constant 0 : i32
    %c0_i32_3 = arith.constant 0 : i32
    return %min3A_2, %c0_i32 : i32, i32
  }
  func.func @transform_3(%arg0: i32) -> (i32, i32) {
    %c0_i32 = arith.constant 0 : i32
    %c0_i32_0 = arith.constant 0 : i32
    %c0_i32_1 = arith.constant 0 : i32
    return %c0_i32, %c0_i32_0 : i32, i32
  }
  func.func @transform_4(%arg0: i32) -> (i32, i32) {
    %c0_i32 = arith.constant 0 : i32
    %c0_i32_0 = arith.constant 0 : i32
    %c0_i32_1 = arith.constant 0 : i32
    return %c0_i32, %c0_i32_0 : i32, i32
  }
  func.func @transform_5(%arg0: i32) -> (i32, i32) {
    %c0_i32 = arith.constant 0 : i32
    %c0_i32_0 = arith.constant 0 : i32
    %c0_i32_1 = arith.constant 0 : i32
    return %c0_i32, %c0_i32_0 : i32, i32
  }
  func.func @transform_6(%arg0: i32) -> (i32, i32) {
    %c0_i32 = arith.constant 0 : i32
    %c0_i32_0 = arith.constant 0 : i32
    %c0_i32_1 = arith.constant 0 : i32
    return %c0_i32, %c0_i32_0 : i32, i32
  }
  func.func @transform_7(%arg0: i32) -> (i32, i32) {
    %c0_i32 = arith.constant 0 : i32
    %c0_i32_0 = arith.constant 0 : i32
    %c0_i32_1 = arith.constant 0 : i32
    return %c0_i32, %c0_i32_0 : i32, i32
  }
  func.func @transform_8(%arg0: i32) -> (i32, i32) {
    %c0_i32 = arith.constant 0 : i32
    %c0_i32_0 = arith.constant 0 : i32
    %c0_i32_1 = arith.constant 0 : i32
    return %c0_i32, %c0_i32_0 : i32, i32
  }
  func.func @transform_9(%arg0: i32) -> (i32, i32) {
    %c0_i32 = arith.constant 0 : i32
    %c0_i32_0 = arith.constant 0 : i32
    %c0_i32_1 = arith.constant 0 : i32
    return %c0_i32, %c0_i32_0 : i32, i32
  }
  func.func @transform_10(%arg0: i32) -> (i32, i32) {
    %c0_i32 = arith.constant 0 : i32
    %c0_i32_0 = arith.constant 0 : i32
    %c0_i32_1 = arith.constant 0 : i32
    return %c0_i32, %c0_i32_0 : i32, i32
  }
  func.func @transform_11(%arg0: i32) -> (i32, i32) {
    %c0_i32 = arith.constant 0 : i32
    %c0_i32_0 = arith.constant 0 : i32
    return %arg0, %c0_i32 : i32, i32
  }
  func.func @transform_12(%arg0: i32) -> (i32, i32) {
    %c0_i32 = arith.constant 0 : i32
    %c0_i32_0 = arith.constant 0 : i32
    return %arg0, %c0_i32 : i32, i32
  }
  func.func @transform_13(%arg0: i32) -> (i32, i32) {
    %c0_i32 = arith.constant 0 : i32
    %c0_i32_0 = arith.constant 0 : i32
    return %arg0, %c0_i32 : i32, i32
  }
  func.func @transform_14(%arg0: i32) -> (i32, i32) {
    %c0_i32 = arith.constant 0 : i32
    %c0_i32_0 = arith.constant 0 : i32
    %c0_i32_1 = arith.constant 0 : i32
    return %c0_i32, %c0_i32_0 : i32, i32
  }
  func.func @transform_15(%arg0: i32) -> (i32, i32) {
    %c0_i32 = arith.constant 0 : i32
    %c0_i32_0 = arith.constant 0 : i32
    %c0_i32_1 = arith.constant 0 : i32
    return %c0_i32, %c0_i32_0 : i32, i32
  }
  func.func @transform_16(%arg0: i32) -> (i32, i32) {
    %c0_i32 = arith.constant 0 : i32
    %c0_i32_0 = arith.constant 0 : i32
    %c0_i32_1 = arith.constant 0 : i32
    return %c0_i32, %c0_i32_0 : i32, i32
  }
}

module attributes {stable_mosaic.version = 14 : i64} {
  func.func @_gram_kernel(%arg0: i32, %arg1: memref<1792x192xf32, #tpu.memory_space<vmem>>, %arg2: memref<1792x192xf32, #tpu.memory_space<vmem>>, %arg3: memref<1x192xf32, #tpu.memory_space<vmem>>, %arg4: memref<1x192xf32, #tpu.memory_space<vmem>>, %arg5: memref<192x192xf32, #tpu.memory_space<vmem>>) attributes {dimension_semantics = [#tpu.dimension_semantics<arbitrary>], iteration_bounds = array<i64: 28>, scalar_prefetch = 0 : i64, scratch_operands = 0 : i64, tpu.core_type = #tpu.core_type<tc>, window_params = [{transform_indices = @transform_0, window_bounds = array<i64: 1792, 192>}, {transform_indices = @transform_1, window_bounds = array<i64: 1792, 192>}, {pipeline_mode = #tpu.pipeline_mode<synchronous>, transform_indices = @transform_2, window_bounds = array<i64: 1, 192>}, {pipeline_mode = #tpu.pipeline_mode<synchronous>, transform_indices = @transform_3, window_bounds = array<i64: 1, 192>}, {pipeline_mode = #tpu.pipeline_mode<synchronous>, transform_indices = @transform_4, window_bounds = array<i64: 192, 192>}]} {
    %get3A = arith.constant 0 : index
    %get3A_0 = arith.constant 0 : index
    %get3A_1 = vector.load %arg3[%get3A, %get3A_0] : memref<1x192xf32, #tpu.memory_space<vmem>>, vector<1x192xf32>
    %sqrt3A = math.sqrt %get3A_1 : vector<1x192xf32>
    %max3A = arith.constant 9.99999996E-13 : f32
    %max3A_2 = vector.broadcast %max3A : f32 to vector<1x192xf32>
    %max3A_3 = arith.maximumf %sqrt3A, %max3A_2 : vector<1x192xf32>
    %get3A_4 = arith.constant 0 : index
    %get3A_5 = arith.constant 0 : index
    %get3A_6 = vector.load %arg4[%get3A_4, %get3A_5] : memref<1x192xf32, #tpu.memory_space<vmem>>, vector<1x192xf32>
    %sqrt3A_7 = math.sqrt %get3A_6 : vector<1x192xf32>
    %max3A_8 = arith.constant 9.99999996E-13 : f32
    %max3A_9 = vector.broadcast %max3A_8 : f32 to vector<1x192xf32>
    %max3A_10 = arith.maximumf %sqrt3A_7, %max3A_9 : vector<1x192xf32>
    %get3A_11 = arith.constant 0 : index
    %get3A_12 = arith.constant 0 : index
    %get3A_13 = vector.load %arg1[%get3A_11, %get3A_12] : memref<1792x192xf32, #tpu.memory_space<vmem>>, vector<1792x192xf32>
    %div3A = vector.broadcast %max3A_3 : vector<1x192xf32> to vector<1792x192xf32>
    %div3A_14 = arith.divf %get3A_13, %div3A : vector<1792x192xf32>
    %convert_element_type3A = arith.truncf %div3A_14 : vector<1792x192xf32> to vector<1792x192xbf16>
    %get3A_15 = arith.constant 0 : index
    %get3A_16 = arith.constant 0 : index
    %get3A_17 = vector.load %arg2[%get3A_15, %get3A_16] : memref<1792x192xf32, #tpu.memory_space<vmem>>, vector<1792x192xf32>
    %div3A_18 = vector.broadcast %max3A_10 : vector<1x192xf32> to vector<1792x192xf32>
    %div3A_19 = arith.divf %get3A_17, %div3A_18 : vector<1792x192xf32>
    %convert_element_type3A_20 = arith.truncf %div3A_19 : vector<1792x192xf32> to vector<1792x192xbf16>
    %eq3A = arith.constant 0 : i32
    %eq3A_21 = arith.cmpi eq, %arg0, %eq3A : i32
    %convert_element_type3A_22 = arith.extui %eq3A_21 : i1 to i32
    %cond3A = arith.constant 0 : i32
    %cond3A_23 = arith.cmpi ne, %convert_element_type3A_22, %cond3A : i32
    scf.if %cond3A_23 {
      %broadcast_in_dim3A = arith.constant 0.000000e+00 : f32
      %broadcast_in_dim3A_30 = vector.broadcast %broadcast_in_dim3A : f32 to vector<192x192xf32>
      %swap3A_31 = arith.constant 0 : index
      %swap3A_32 = arith.constant 0 : index
      %swap3A_33 = vector.load %arg5[%swap3A_31, %swap3A_32] : memref<192x192xf32, #tpu.memory_space<vmem>>, vector<192x192xf32>
      tpu.vector_store %arg5[%swap3A_31, %swap3A_32], %broadcast_in_dim3A_30 {strides = array<i32>} : memref<192x192xf32, #tpu.memory_space<vmem>>, vector<192x192xf32>,
    } else {
    }
    %get3A_24 = arith.constant 0 : index
    %get3A_25 = arith.constant 0 : index
    %get3A_26 = vector.load %arg5[%get3A_24, %get3A_25] : memref<192x192xf32, #tpu.memory_space<vmem>>, vector<192x192xf32>
    %dot_general3A = arith.constant dense<0.000000e+00> : vector<192x192xf32>
    %dot_general3A_27 = tpu.matmul %convert_element_type3A, %convert_element_type3A_20, %dot_general3A {dimension_numbers = #tpu.dot_dimension_numbers<[0], [0], [1], [1], [0, 1, 1, 1], [], []>, transpose_lhs_hint = false} : vector<1792x192xbf16>, vector<1792x192xbf16>, vector<192x192xf32> -> vector<192x192xf32>
    %add3A = arith.addf %get3A_26, %dot_general3A_27 : vector<192x192xf32>
    %swap3A = arith.constant 0 : index
    %swap3A_28 = arith.constant 0 : index
    %swap3A_29 = vector.load %arg5[%swap3A, %swap3A_28] : memref<192x192xf32, #tpu.memory_space<vmem>>, vector<192x192xf32>
    tpu.vector_store %arg5[%swap3A, %swap3A_28], %add3A {strides = array<i32>} : memref<192x192xf32, #tpu.memory_space<vmem>>, vector<192x192xf32>,
    return
  }
  func.func @transform_0(%arg0: i32) -> (i32, i32) {
    %c0_i32 = arith.constant 0 : i32
    %c0_i32_0 = arith.constant 0 : i32
    return %arg0, %c0_i32 : i32, i32
  }
  func.func @transform_1(%arg0: i32) -> (i32, i32) {
    %c0_i32 = arith.constant 0 : i32
    %c0_i32_0 = arith.constant 0 : i32
    return %arg0, %c0_i32 : i32, i32
  }
  func.func @transform_2(%arg0: i32) -> (i32, i32) {
    %c0_i32 = arith.constant 0 : i32
    %c0_i32_0 = arith.constant 0 : i32
    %c0_i32_1 = arith.constant 0 : i32
    return %c0_i32, %c0_i32_0 : i32, i32
  }
  func.func @transform_3(%arg0: i32) -> (i32, i32) {
    %c0_i32 = arith.constant 0 : i32
    %c0_i32_0 = arith.constant 0 : i32
    %c0_i32_1 = arith.constant 0 : i32
    return %c0_i32, %c0_i32_0 : i32, i32
  }
  func.func @transform_4(%arg0: i32) -> (i32, i32) {
    %c0_i32 = arith.constant 0 : i32
    %c0_i32_0 = arith.constant 0 : i32
    %c0_i32_1 = arith.constant 0 : i32
    return %c0_i32, %c0_i32_0 : i32, i32
  }
}

module attributes {stable_mosaic.version = 14 : i64} {
  func.func @_out_kernel(%arg0: i32, %arg1: memref<192x192xf32, #tpu.memory_space<vmem>>, %arg2: memref<1792x192xf32, #tpu.memory_space<vmem>>, %arg3: memref<1x1xf32, #tpu.memory_space<vmem>>, %arg4: memref<1x1xf32, #tpu.memory_space<vmem>>, %arg5: memref<1x1xf32, #tpu.memory_space<vmem>>, %arg6: memref<1x1xf32, #tpu.memory_space<vmem>>, %arg7: memref<1792x192xf32, #tpu.memory_space<vmem>>) attributes {dimension_semantics = [#tpu.dimension_semantics<arbitrary>], iteration_bounds = array<i64: 28>, scalar_prefetch = 0 : i64, scratch_operands = 0 : i64, tpu.core_type = #tpu.core_type<tc>, window_params = [{pipeline_mode = #tpu.pipeline_mode<synchronous>, transform_indices = @transform_0, window_bounds = array<i64: 192, 192>}, {transform_indices = @transform_1, window_bounds = array<i64: 1792, 192>}, {pipeline_mode = #tpu.pipeline_mode<synchronous>, transform_indices = @transform_2, window_bounds = array<i64: 1, 1>}, {pipeline_mode = #tpu.pipeline_mode<synchronous>, transform_indices = @transform_3, window_bounds = array<i64: 1, 1>}, {pipeline_mode = #tpu.pipeline_mode<synchronous>, transform_indices = @transform_4, window_bounds = array<i64: 1, 1>}, {pipeline_mode = #tpu.pipeline_mode<synchronous>, transform_indices = @transform_5, window_bounds = array<i64: 1, 1>}, {transform_indices = @transform_6, window_bounds = array<i64: 1792, 192>}]} {
    %get3A = arith.constant 0 : index
    %get3A_0 = arith.constant 0 : index
    %get3A_1 = vector.load %arg2[%get3A, %get3A_0] : memref<1792x192xf32, #tpu.memory_space<vmem>>, vector<1792x192xf32>
    %convert_element_type3A = arith.truncf %get3A_1 : vector<1792x192xf32> to vector<1792x192xbf16>
    %get3A_2 = arith.constant 0 : index
    %get3A_3 = arith.constant 0 : index
    %get3A_4 = vector.load %arg1[%get3A_2, %get3A_3] : memref<192x192xf32, #tpu.memory_space<vmem>>, vector<192x192xf32>
    %convert_element_type3A_5 = arith.truncf %get3A_4 : vector<192x192xf32> to vector<192x192xbf16>
    %dot_general3A = arith.constant dense<0.000000e+00> : vector<1792x192xf32>
    %dot_general3A_6 = tpu.matmul %convert_element_type3A, %convert_element_type3A_5, %dot_general3A {dimension_numbers = #tpu.dot_dimension_numbers<[1], [0], [0], [1], [0, 0, 1, 1], [], []>, transpose_lhs_hint = false} : vector<1792x192xbf16>, vector<192x192xbf16>, vector<1792x192xf32> -> vector<1792x192xf32>
    %get3A_7 = arith.constant 0 : index
    %get3A_8 = arith.constant 0 : index
    %get3A_9 = vector.load %arg3[%get3A_7, %get3A_8] : memref<1x1xf32, #tpu.memory_space<vmem>>, vector<1x1xf32>
    %get3A_10 = vector.extract %get3A_9[0, 0] : f32 from vector<1x1xf32>
    %mul3A = vector.broadcast %get3A_10 : f32 to vector<1792x192xf32>
    %mul3A_11 = arith.mulf %dot_general3A_6, %mul3A : vector<1792x192xf32>
    %get3A_12 = arith.constant 0 : index
    %get3A_13 = arith.constant 0 : index
    %get3A_14 = vector.load %arg4[%get3A_12, %get3A_13] : memref<1x1xf32, #tpu.memory_space<vmem>>, vector<1x1xf32>
    %get3A_15 = vector.extract %get3A_14[0, 0] : f32 from vector<1x1xf32>
    %mul3A_16 = vector.broadcast %get3A_15 : f32 to vector<1792x192xf32>
    %mul3A_17 = arith.mulf %dot_general3A_6, %mul3A_16 : vector<1792x192xf32>
    %add3A = arith.addf %mul3A_11, %mul3A_17 : vector<1792x192xf32>
    %get3A_18 = arith.constant 0 : index
    %get3A_19 = arith.constant 0 : index
    %get3A_20 = vector.load %arg5[%get3A_18, %get3A_19] : memref<1x1xf32, #tpu.memory_space<vmem>>, vector<1x1xf32>
    %get3A_21 = vector.extract %get3A_20[0, 0] : f32 from vector<1x1xf32>
    %mul3A_22 = vector.broadcast %get3A_21 : f32 to vector<1792x192xf32>
    %mul3A_23 = arith.mulf %dot_general3A_6, %mul3A_22 : vector<1792x192xf32>
    %add3A_24 = arith.addf %add3A, %mul3A_23 : vector<1792x192xf32>
    %get3A_25 = arith.constant 0 : index
    %get3A_26 = arith.constant 0 : index
    %get3A_27 = vector.load %arg6[%get3A_25, %get3A_26] : memref<1x1xf32, #tpu.memory_space<vmem>>, vector<1x1xf32>
    %get3A_28 = vector.extract %get3A_27[0, 0] : f32 from vector<1x1xf32>
    %mul3A_29 = vector.broadcast %get3A_28 : f32 to vector<1792x192xf32>
    %mul3A_30 = arith.mulf %dot_general3A_6, %mul3A_29 : vector<1792x192xf32>
    %add3A_31 = arith.addf %add3A_24, %mul3A_30 : vector<1792x192xf32>
    %swap3A = arith.constant 0 : index
    %swap3A_32 = arith.constant 0 : index
    %swap3A_33 = vector.load %arg7[%swap3A, %swap3A_32] : memref<1792x192xf32, #tpu.memory_space<vmem>>, vector<1792x192xf32>
    tpu.vector_store %arg7[%swap3A, %swap3A_32], %add3A_31 {strides = array<i32>} : memref<1792x192xf32, #tpu.memory_space<vmem>>, vector<1792x192xf32>,
    return
  }
  func.func @transform_0(%arg0: i32) -> (i32, i32) {
    %c0_i32 = arith.constant 0 : i32
    %c0_i32_0 = arith.constant 0 : i32
    %c0_i32_1 = arith.constant 0 : i32
    return %c0_i32, %c0_i32_0 : i32, i32
  }
  func.func @transform_1(%arg0: i32) -> (i32, i32) {
    %c0_i32 = arith.constant 0 : i32
    %c0_i32_0 = arith.constant 0 : i32
    return %arg0, %c0_i32 : i32, i32
  }
  func.func @transform_2(%arg0: i32) -> (i32, i32) {
    %c0_i32 = arith.constant 0 : i32
    %c0_i32_0 = arith.constant 0 : i32
    %c0_i32_1 = arith.constant 0 : i32
    return %c0_i32, %c0_i32_0 : i32, i32
  }
  func.func @transform_3(%arg0: i32) -> (i32, i32) {
    %c0_i32 = arith.constant 0 : i32
    %c0_i32_0 = arith.constant 0 : i32
    %c0_i32_1 = arith.constant 0 : i32
    return %c0_i32, %c0_i32_0 : i32, i32
  }
  func.func @transform_4(%arg0: i32) -> (i32, i32) {
    %c0_i32 = arith.constant 0 : i32
    %c0_i32_0 = arith.constant 0 : i32
    %c0_i32_1 = arith.constant 0 : i32
    return %c0_i32, %c0_i32_0 : i32, i32
  }
  func.func @transform_5(%arg0: i32) -> (i32, i32) {
    %c0_i32 = arith.constant 0 : i32
    %c0_i32_0 = arith.constant 0 : i32
    %c0_i32_1 = arith.constant 0 : i32
    return %c0_i32, %c0_i32_0 : i32, i32
  }
  func.func @transform_6(%arg0: i32) -> (i32, i32) {
    %c0_i32 = arith.constant 0 : i32
    %c0_i32_0 = arith.constant 0 : i32
    return %arg0, %c0_i32 : i32, i32
  }
}

module attributes {stable_mosaic.version = 14 : i64} {
  func.func @_mask_kernel(%arg0: memref<192x192xf32, #tpu.memory_space<vmem>>, %arg1: memref<1x1xf32, #tpu.memory_space<vmem>>, %arg2: memref<192x1xf32, #tpu.memory_space<vmem>>, %arg3: memref<192x192xf32, #tpu.memory_space<vmem>>) attributes {dimension_semantics = [], scalar_prefetch = 0 : i64, scratch_operands = 0 : i64, tpu.core_type = #tpu.core_type<tc>} {
    %get3A = arith.constant 0 : index
    %get3A_0 = arith.constant 0 : index
    %get3A_1 = vector.load %arg0[%get3A, %get3A_0] : memref<192x192xf32, #tpu.memory_space<vmem>>, vector<192x192xf32>
    %get3A_2 = arith.constant 0 : index
    %get3A_3 = arith.constant 0 : index
    %get3A_4 = vector.load %arg2[%get3A_2, %get3A_3] : memref<192x1xf32, #tpu.memory_space<vmem>>, vector<192x1xf32>
    %mul3A = vector.broadcast %get3A_4 : vector<192x1xf32> to vector<192x192xf32>
    %mul3A_5 = arith.mulf %get3A_1, %mul3A : vector<192x192xf32>
    %slice3A = vector.extract_strided_slice %mul3A_5 {offsets = [0, 0], sizes = [24, 24], strides = [1, 1]} : vector<192x192xf32> to vector<24x24xf32>
    %slice3A_6 = vector.extract_strided_slice %mul3A_5 {offsets = [24, 24], sizes = [24, 24], strides = [1, 1]} : vector<192x192xf32> to vector<24x24xf32>
    %slice3A_7 = vector.extract_strided_slice %mul3A_5 {offsets = [48, 48], sizes = [24, 24], strides = [1, 1]} : vector<192x192xf32> to vector<24x24xf32>
    %slice3A_8 = vector.extract_strided_slice %mul3A_5 {offsets = [72, 72], sizes = [24, 24], strides = [1, 1]} : vector<192x192xf32> to vector<24x24xf32>
    %slice3A_9 = vector.extract_strided_slice %mul3A_5 {offsets = [96, 96], sizes = [24, 24], strides = [1, 1]} : vector<192x192xf32> to vector<24x24xf32>
    %slice3A_10 = vector.extract_strided_slice %mul3A_5 {offsets = [120, 120], sizes = [24, 24], strides = [1, 1]} : vector<192x192xf32> to vector<24x24xf32>
    %slice3A_11 = vector.extract_strided_slice %mul3A_5 {offsets = [144, 144], sizes = [24, 24], strides = [1, 1]} : vector<192x192xf32> to vector<24x24xf32>
    %slice3A_12 = vector.extract_strided_slice %mul3A_5 {offsets = [168, 168], sizes = [24, 24], strides = [1, 1]} : vector<192x192xf32> to vector<24x24xf32>
    %concatenate3A = tpu.concatenate %slice3A, %slice3A_6, %slice3A_7, %slice3A_8, %slice3A_9, %slice3A_10, %slice3A_11, %slice3A_12 in 0 : vector<24x24xf32>, vector<24x24xf32>, vector<24x24xf32>, vector<24x24xf32>, vector<24x24xf32>, vector<24x24xf32>, vector<24x24xf32>, vector<24x24xf32> -> vector<192x24xf32>
    %get3A_13 = arith.constant 0 : index
    %get3A_14 = arith.constant 0 : index
    %get3A_15 = vector.load %arg1[%get3A_13, %get3A_14] : memref<1x1xf32, #tpu.memory_space<vmem>>, vector<1x1xf32>
    %get3A_16 = vector.extract %get3A_15[0, 0] : f32 from vector<1x1xf32>
    %mul3A_17 = arith.constant 2.400000e+01 : f32
    %mul3A_18 = arith.mulf %mul3A_17, %get3A_16 : f32
    %div3A = arith.constant 5.017600e+04 : f32
    %div3A_19 = arith.divf %mul3A_18, %div3A : f32
    %floor3A = math.floor %div3A_19 : f32
    %jit3A = arith.constant 1.000000e+00 : f32
    %jit3A_20 = arith.constant 2.400000e+01 : f32
    %max3A = arith.maximumf %jit3A, %floor3A : f32
    %min3A = arith.minimumf %jit3A_20, %max3A : f32
    %broadcast_in_dim3A = vector.shape_cast %concatenate3A : vector<192x24xf32> to vector<192x24x1xf32>
    %broadcast_in_dim3A_21 = vector.shape_cast %concatenate3A : vector<192x24xf32> to vector<192x1x24xf32>
    %iota3A = tpu.iota {dimensions = array<i32: 2>} : vector<192x24x24xi32>
    %iota3A_22 = tpu.iota {dimensions = array<i32: 1>} : vector<192x24x24xi32>
    %gt3A = vector.broadcast %broadcast_in_dim3A_21 : vector<192x1x24xf32> to vector<192x24x24xf32>
    %gt3A_23 = vector.broadcast %broadcast_in_dim3A : vector<192x24x1xf32> to vector<192x24x24xf32>
    %gt3A_24 = arith.cmpf ogt, %gt3A, %gt3A_23 : vector<192x24x24xf32>
    %convert_element_type3A = arith.extui %gt3A_24 : vector<192x24x24xi1> to vector<192x24x24xi32>
    %convert_element_type3A_25 = arith.sitofp %convert_element_type3A : vector<192x24x24xi32> to vector<192x24x24xf32>
    %eq3A = vector.broadcast %broadcast_in_dim3A_21 : vector<192x1x24xf32> to vector<192x24x24xf32>
    %eq3A_26 = vector.broadcast %broadcast_in_dim3A : vector<192x24x1xf32> to vector<192x24x24xf32>
    %eq3A_27 = arith.cmpf oeq, %eq3A, %eq3A_26 : vector<192x24x24xf32>
    %lt3A = arith.cmpi slt, %iota3A, %iota3A_22 : vector<192x24x24xi32>
    %and3A = arith.andi %eq3A_27, %lt3A : vector<192x24x24xi1>
    %convert_element_type3A_28 = arith.extui %and3A : vector<192x24x24xi1> to vector<192x24x24xi32>
    %convert_element_type3A_29 = arith.sitofp %convert_element_type3A_28 : vector<192x24x24xi32> to vector<192x24x24xf32>
    %add3A = arith.addf %convert_element_type3A_25, %convert_element_type3A_29 : vector<192x24x24xf32>
    %reduce_sum3A = arith.constant dense<0.000000e+00> : vector<192x24xf32>
    %reduce_sum3A_30 = vector.multi_reduction <add>, %add3A, %reduce_sum3A [2] : vector<192x24x24xf32> to vector<192x24xf32>
    %lt3A_31 = vector.broadcast %min3A : f32 to vector<192x24xf32>
    %lt3A_32 = arith.cmpf olt, %reduce_sum3A_30, %lt3A_31 : vector<192x24xf32>
    %convert_element_type3A_33 = arith.extui %lt3A_32 : vector<192x24xi1> to vector<192x24xi32>
    %convert_element_type3A_34 = arith.sitofp %convert_element_type3A_33 : vector<192x24xi32> to vector<192x24xf32>
    %jit3A_35 = arith.constant -1.000000e+30 : f32
    %broadcast_in_dim3A_36 = vector.broadcast %jit3A_35 : f32 to vector<192x24xf32>
    %select_n3A = arith.select %lt3A_32, %concatenate3A, %broadcast_in_dim3A_36 : vector<192x24xi1>, vector<192x24xf32>
    %reduce_max3A = arith.constant dense<0xFF800000> : vector<192xf32>
    %reduce_max3A_37 = vector.multi_reduction <maximumf>, %select_n3A, %reduce_max3A [1] : vector<192x24xf32> to vector<192xf32>
    %broadcast_in_dim3A_38 = vector.shape_cast %reduce_max3A_37 : vector<192xf32> to vector<192x1xf32>
    %sub3A = vector.broadcast %broadcast_in_dim3A_38 : vector<192x1xf32> to vector<192x24xf32>
    %sub3A_39 = arith.subf %select_n3A, %sub3A : vector<192x24xf32>
    %exp3A = math.exp %sub3A_39 : vector<192x24xf32>
    %mul3A_40 = arith.mulf %exp3A, %convert_element_type3A_34 : vector<192x24xf32>
    %reduce_sum3A_41 = arith.constant dense<0.000000e+00> : vector<192xf32>
    %reduce_sum3A_42 = vector.multi_reduction <add>, %mul3A_40, %reduce_sum3A_41 [1] : vector<192x24xf32> to vector<192xf32>
    %broadcast_in_dim3A_43 = vector.shape_cast %reduce_sum3A_42 : vector<192xf32> to vector<192x1xf32>
    %div3A_44 = vector.broadcast %broadcast_in_dim3A_43 : vector<192x1xf32> to vector<192x24xf32>
    %div3A_45 = arith.divf %mul3A_40, %div3A_44 : vector<192x24xf32>
    %transpose3A = tpu.transpose %div3A_45, [1, 0] : vector<192x24xf32> -> vector<24x192xf32>
    %concatenate3A_46 = tpu.concatenate %transpose3A, %transpose3A, %transpose3A, %transpose3A, %transpose3A, %transpose3A, %transpose3A, %transpose3A in 0 : vector<24x192xf32>, vector<24x192xf32>, vector<24x192xf32>, vector<24x192xf32>, vector<24x192xf32>, vector<24x192xf32>, vector<24x192xf32>, vector<24x192xf32> -> vector<192x192xf32>
    %iota3A_47 = tpu.iota {dimensions = array<i32: 0>} : vector<192x192xi32>
    %jit3A_48 = arith.constant 24 : i32
    %div3A_49 = vector.broadcast %jit3A_48 : i32 to vector<192x192xi32>
    %div3A_50 = arith.divsi %iota3A_47, %div3A_49 : vector<192x192xi32>
    %sign3A = arith.constant 0 : i32
    %sign3A_51 = vector.broadcast %sign3A : i32 to vector<192x192xi32>
    %sign3A_52 = arith.cmpi sgt, %iota3A_47, %sign3A_51 : vector<192x192xi32>
    %sign3A_53 = arith.extui %sign3A_52 : vector<192x192xi1> to vector<192x192xi32>
    %sign3A_54 = arith.constant 0 : i32
    %sign3A_55 = vector.broadcast %sign3A_54 : i32 to vector<192x192xi32>
    %sign3A_56 = arith.cmpi slt, %iota3A_47, %sign3A_55 : vector<192x192xi32>
    %sign3A_57 = arith.extui %sign3A_56 : vector<192x192xi1> to vector<192x192xi32>
    %sign3A_58 = arith.subi %sign3A_53, %sign3A_57 : vector<192x192xi32>
    %sign3A_59 = arith.constant 0 : i32
    %sign3A_60 = arith.cmpi sgt, %jit3A_48, %sign3A_59 : i32
    %sign3A_61 = arith.extui %sign3A_60 : i1 to i32
    %sign3A_62 = arith.constant 0 : i32
    %sign3A_63 = arith.cmpi slt, %jit3A_48, %sign3A_62 : i32
    %sign3A_64 = arith.extui %sign3A_63 : i1 to i32
    %sign3A_65 = arith.subi %sign3A_61, %sign3A_64 : i32
    %ne3A = vector.broadcast %sign3A_65 : i32 to vector<192x192xi32>
    %ne3A_66 = arith.cmpi ne, %sign3A_58, %ne3A : vector<192x192xi32>
    %rem3A = vector.broadcast %jit3A_48 : i32 to vector<192x192xi32>
    %rem3A_67 = arith.remsi %iota3A_47, %rem3A : vector<192x192xi32>
    %ne3A_68 = arith.constant 0 : i32
    %ne3A_69 = vector.broadcast %ne3A_68 : i32 to vector<192x192xi32>
    %ne3A_70 = arith.cmpi ne, %rem3A_67, %ne3A_69 : vector<192x192xi32>
    %and3A_71 = arith.andi %ne3A_66, %ne3A_70 : vector<192x192xi1>
    %sub3A_72 = arith.constant 1 : i32
    %sub3A_73 = vector.broadcast %sub3A_72 : i32 to vector<192x192xi32>
    %sub3A_74 = arith.subi %div3A_50, %sub3A_73 : vector<192x192xi32>
    %select_n3A_75 = arith.select %and3A_71, %sub3A_74, %div3A_50 : vector<192x192xi1>, vector<192x192xi32>
    %iota3A_76 = tpu.iota {dimensions = array<i32: 1>} : vector<192x192xi32>
    %jit3A_77 = arith.constant 24 : i32
    %div3A_78 = vector.broadcast %jit3A_77 : i32 to vector<192x192xi32>
    %div3A_79 = arith.divsi %iota3A_76, %div3A_78 : vector<192x192xi32>
    %sign3A_80 = arith.constant 0 : i32
    %sign3A_81 = vector.broadcast %sign3A_80 : i32 to vector<192x192xi32>
    %sign3A_82 = arith.cmpi sgt, %iota3A_76, %sign3A_81 : vector<192x192xi32>
    %sign3A_83 = arith.extui %sign3A_82 : vector<192x192xi1> to vector<192x192xi32>
    %sign3A_84 = arith.constant 0 : i32
    %sign3A_85 = vector.broadcast %sign3A_84 : i32 to vector<192x192xi32>
    %sign3A_86 = arith.cmpi slt, %iota3A_76, %sign3A_85 : vector<192x192xi32>
    %sign3A_87 = arith.extui %sign3A_86 : vector<192x192xi1> to vector<192x192xi32>
    %sign3A_88 = arith.subi %sign3A_83, %sign3A_87 : vector<192x192xi32>
    %sign3A_89 = arith.constant 0 : i32
    %sign3A_90 = arith.cmpi sgt, %jit3A_77, %sign3A_89 : i32
    %sign3A_91 = arith.extui %sign3A_90 : i1 to i32
    %sign3A_92 = arith.constant 0 : i32
    %sign3A_93 = arith.cmpi slt, %jit3A_77, %sign3A_92 : i32
    %sign3A_94 = arith.extui %sign3A_93 : i1 to i32
    %sign3A_95 = arith.subi %sign3A_91, %sign3A_94 : i32
    %ne3A_96 = vector.broadcast %sign3A_95 : i32 to vector<192x192xi32>
    %ne3A_97 = arith.cmpi ne, %sign3A_88, %ne3A_96 : vector<192x192xi32>
    %rem3A_98 = vector.broadcast %jit3A_77 : i32 to vector<192x192xi32>
    %rem3A_99 = arith.remsi %iota3A_76, %rem3A_98 : vector<192x192xi32>
    %ne3A_100 = arith.constant 0 : i32
    %ne3A_101 = vector.broadcast %ne3A_100 : i32 to vector<192x192xi32>
    %ne3A_102 = arith.cmpi ne, %rem3A_99, %ne3A_101 : vector<192x192xi32>
    %and3A_103 = arith.andi %ne3A_97, %ne3A_102 : vector<192x192xi1>
    %sub3A_104 = arith.constant 1 : i32
    %sub3A_105 = vector.broadcast %sub3A_104 : i32 to vector<192x192xi32>
    %sub3A_106 = arith.subi %div3A_79, %sub3A_105 : vector<192x192xi32>
    %select_n3A_107 = arith.select %and3A_103, %sub3A_106, %div3A_79 : vector<192x192xi1>, vector<192x192xi32>
    %eq3A_108 = arith.cmpi eq, %select_n3A_75, %select_n3A_107 : vector<192x192xi32>
    %jit3A_109 = arith.constant 0.000000e+00 : f32
    %broadcast_in_dim3A_110 = vector.broadcast %jit3A_109 : f32 to vector<192x192xf32>
    %select_n3A_111 = arith.select %eq3A_108, %concatenate3A_46, %broadcast_in_dim3A_110 : vector<192x192xi1>, vector<192x192xf32>
    %swap3A = arith.constant 0 : index
    %swap3A_112 = arith.constant 0 : index
    %swap3A_113 = vector.load %arg3[%swap3A, %swap3A_112] : memref<192x192xf32, #tpu.memory_space<vmem>>, vector<192x192xf32>
    tpu.vector_store %arg3[%swap3A, %swap3A_112], %select_n3A_111 {strides = array<i32>} : memref<192x192xf32, #tpu.memory_space<vmem>>, vector<192x192xf32>,
    return
  }
}

</mosaic_0001>

<sc_bundles>
// kernel: sparse-core-data-format-call.cloned.1.call-start
scs
called_computation_lowered:
.L_overlay_start_0:
0x0: {  	s2 =	sld [smem:$0x3FD9]  }
0x1: {  	s3 =	sld [smem:$0x3FFE];
	_ =	sdelay $0x1  }
0x2: {  	s1 =	srdreg.scid  }
0x3: {  	s0 =	sand.u32 $0x1, s1  }
0x4: {  	s18 =	sshll.u32 s0, $0xA;
	s2 =	sadd.s32 s3, s2  }
0x5: {  	s2 =	sadd.s32 s2, s18  }
0x6: {  	[smem:$0x3FBA] =	sst s2  }
0x7: {  	_ = 	snop  }
0x8: {  	s2 =	sld [smem:$0x3FD0];
	(tm) =	ssettm $0x1  }
0x9: {  	s19 =	sld [smem:$0x3FFB];
	_ =	sdelay $0x3  }
0xa: {  	_ =	strace s19  }
0xb: {  	s3 =	sld [smem:$0x3FFC];
	_ =	sdelay $0x3  }
0xc: {  	_ =	strace s3  }
0xd: {  	s3 =	sld [smem:$0x3FFD];
	_ =	sdelay $0x3  }
0xe: {  	_ =	strace s3  }
0xf: {  	_ =	strace $0x8FFFFFFF  }
0x10: {  	s20 =	sld [smem:$0x3FDB];
	_ =	sdelay $0x1  }
0x11: {  	s4 =	simm.s32 $_scs_section_size  }
0x12: {  	s5 =	simm.s32 $_size__tile_overlayer_lowered;
	s6 =	simm.s32 $_tile_overlayer_lowered  }
0x13: {  	s23 =	simm.s32 $0x1BFF;
	s22 =	sshll.u32 s6, $0x1;
	s3 =	sadd.s32 s4, s20  }
0x14: {  	s7 =	simm.s32 $0x0;
	s21 =	sshll.u32 s5, $0x1;
	s5 =	sadd.s32 s22, s3  }
0x15: {  	[timem:s7], [sflag:s23] =	dma.local [hbm:s5], s21  }
0x16: {  	_ =	swait.ge [sflag:s23], s21  }
0x17: {  	s4 =	ssub.s32 $0x0, s21;
	[sflag:s23] =	ssyncset.done $0x0  }
0x18: {  	[sflag:s23] =	ssyncadd.s32 s4;
	_ =	sdelay $0x1  }
0x19: {  	s24 =	simm.s32 $0x1B8B  }
0x1a: {  	_ =	swait.ge [sflag:s24], $0x1  }
0x1b: {  	[sflag:s24] =	ssyncset.done $0x0  }
0x1c: {  	s26 =	simm.s32 $0x1B8E;
	s25 =	sld [smem:$0x3FFE];
	[sflag:s24] =	ssyncadd.s32 $0xFFFFFFFF  }
0x1d: {  	s27 =	simm.s32 $execute0_lowered;
	[smem:$0x3FD2] =	sst s26  }
0x1e: {  	s5 =	sshll.u32 s27, $0x1;
	_ =	strace $0x80000046;
	[dreg:$0x1] =	wrdreg $0xFFFFFFFF  }
0x1f: {  	s28 =	simm.s32 $_size_execute0_lowered;
	s3 =	sadd.s32 s3, s5;
	[dreg:$0x0] =	wrdreg $0x0  }
0x20: {  	s5 =	sshll.u32 s28, $0x1;
	[dreg:$0x2] =	wrdreg s3  }
0x21: {  	[dreg:$0x3] =	wrdreg s5  }
0x22: {  	[dreg:$0x4] =	wrdreg $0xC0  }
0x23: {  	_ =	task [dreg:s7], $0x5FFFF  }
0x24: {  	[dreg:$0x1] =	wrdreg $0xFFFFFFFF  }
0x25: {  	[dreg:$0x0] =	wrdreg $0x60  }
0x26: {  	[dreg:$0x2] =	wrdreg s25  }
0x27: {  	[dreg:$0x3] =	wrdreg s2  }
0x28: {  	[dreg:$0x4] =	wrdreg $0x9  }
0x29: {  	_ =	task.clear_ibuf [dreg:s7], $0x5FFFF;
	_ =	strace $0x90000046  }
0x2a: {  	s29 =	simm.s32 $0x9;
	_ =	strace $0x80000048  }
0x2b: {  	_ =	swait.ge [sflag:s29], $0x1  }
0x2c: {  	[sflag:s29] =	ssyncadd.s32 $0xFFFFFFFF  }
0x2d: {  	_ =	strace $0x90000048  }
0x2e: {  	_ =	sfence  }
0x2f: {  	s30 =	sld [smem:$0x0];
	_ =	sdelay $0x2  }
0x30: {  	s31 =	sshll.u32 s1, $0xD;
	s1 =	sshrl.u32 s1, $0x2  }
0x31: {  	s3 =	sand.u32 $0x4000, s31;
	s1 =	sadd.s32 s1, s30  }
0x32: {  	s0 =	sor.u32 s3, s0;
	s1 =	sshll.u32 s1, $0x11  }
0x33: {  	s0 =	sor.u32 s1, s0  }
0x34: {  	s0 =	sadd.s32 $0x8F2B, s0  }
0x35: {  	[sflag:s0] =	ssyncadd.remote.s32 $0x1  }
0x36: {  	_ =	sfence.sel $0xFFFF  }
0x37: {  	[dreg:$0x0] =	wrdreg $0xFFFFFFFF;
	(pc) =	sbr.abs _section_cstart, $3  }
0x38: {  	[dreg:$0x1] =	wrdreg $0xFFFFFFFF  }
0x39: {  	_ =	task.clear_ibuf [dreg:s7], $0x2FFFF;
	_ =	strace $0x9FFFFFFF  }
0x3a: {  	(tm) =	ssettm $0x7FFFFFFF  }
0x3b: {  	_ =	shalt  }
tec
execute0_lowered:
.L_overlay_start_1:
0x0: {  	(tag) =	ssettag $0x1  }
0x1: {  	s7 =	rddreg [dreg:$0x0];
	s0 =	srdreg.scid;
	_ =	strace $0x80000047  }
0x2: {  	s1 =	stileid.u32;
	s2 =	simm.s32 $0x1;
	s31 =	simm.s32 $0x2  }
0x3: {  	s17 =	simm.s32 $0x0;
	p0 =	por $0x0, $0x0;
	s16 =	simm.s32 $0x0  }
.Ltmp0:
0x4: {  	s18 =	simm.s32 $0x0;
	s9 =	simm.s32 $0x0;
	(pc) =	sbr.rel .LBB1_1-.Ltmp0, $4  }
0x5: {  	s11 =	simm.s32 $0x0;
	s12 =	simm.s32 $0x0;
	s0 =	sshll.u32 s0, $0x4  }
0x6: {  	s13 =	simm.s32 $0x0;
	s14 =	simm.s32 $0x0;
	s0 =	sand.u32 $0x10, s0  }
0x7: {  	s10 =	simm.s32 $0x0;
	[sflag:s2] =	ssyncpa.u1 $0x0;
	s8 =	sor.u32 s1, s0  }
0x8: {  	[sflag:s31] =	ssyncpa.u1 $0x0;
	s15 =	smov.u32 s8;
	[dreg:$0x3] =	wrdreg s8  }
.LBB1_14:
0x9: {  	s0 =	rddreg [dreg:$0x11]  }
0xa: {  	s12 =	rddreg [dreg:$0x7]  }
0xb: {  	s11 =	rddreg [dreg:$0x6]  }
0xc: {  	s9 =	rddreg [dreg:$0x4]  }
0xd: {  	s5 =	rddreg [dreg:$0xf]  }
0xe: {  	s6 =	rddreg [dreg:$0x10]  }
0xf: {  	s7 =	rddreg [dreg:$0xe]  }
0x10: {  	s27 =	rddreg [dreg:$0x1]  }
0x11: {  	s8 =	rddreg [dreg:$0x3]  }
0x12: {  	s10 =	rddreg [dreg:$0x5]  }
0x13: {  	s13 =	rddreg [dreg:$0x8]  }
0x14: {  	s14 =	rddreg [dreg:$0x9]  }
0x15: {  	s15 =	rddreg [dreg:$0xa]  }
0x16: {  	s16 =	rddreg [dreg:$0xb]  }
0x17: {  	s31 =	simm.s32 $0xE000;
	s17 =	rddreg [dreg:$0xc]  }
0x18: {  	s18 =	rddreg [dreg:$0xd];
	s0 =	smul.u32 $0x10200, s0;
	s1 =	sshll.u32 s12, $0x8  }
0x19: {  	s2 =	sshll.u32 s11, $0x3;
	s3 =	sshll.u32 s12, $0x7;
	p1 =	sgt.s32 s11, $0x80  }
0x1a: {  	s4 =	smov.u32 s11;
	s25 =	sand.u32 $0x78, s11;
	s26 =	smul.u32 $0x1C00, s9  }
0x1b: {  	s28 =	sand.u32 $0x7, s11;
	s1 =	sand.u32 $0xFFFFF800, s1;
	s2 =	sand.u32 $0xFFFFFC00, s2  }
0x1c: {  	s21 =	sand.u32 $0x300, s3;
	s4 =	simm.s32 @!p1 $0x80;
	p1 =	sgt.s32 s9, $0x40  }
0x1d: {  	s3 =	sand.u32 $0x80, s3;
	s29 =	sshll.u32 s28, $0x12;
	s0 =	sshrl.u32 s0, $0x2  }
0x1e: {  	s1 =	sadd.s32 s1, s2;
	s2 =	smov.u32 s9;
	s4 =	sadd.s32 s5, s4  }
0x1f: {  	s1 =	sor.u32 s21, s1;
	s2 =	simm.s32 @!p1 $0x40;
	s23 =	sadd.s32 $0xFFFFFF80, s4  }
0x20: {  	s4 =	ssub.s32 $0x100, s4;
	s1 =	sshrl.u32 s1, $0x8;
	p1 =	sgt.s32 s23, $0x7F  }
0x21: {  	s2 =	sadd.s32 s6, s2;
	s22 =	smulhi.u32 $0x124924A, s1;
	s4 =	simm.s32 @p1 $0x0  }
0x22: {  	s3 =	sor.u32 s25, s3;
	s24 =	sadd.s32 $0xFFFFFFC0, s2;
	s4 =	smul.u32 s7, s4  }
0x23: {  	s2 =	ssub.s32 $0xC0, s2;
	p1 =	sgt.s32 s24, $0x7F;
	s5 =	smul.u32 $0xE0, s22  }
0x24: {  	s30 =	sor.u32 $0x80, s29;
	s3 =	sshrl.u32 s3, $0x3;
	s2 =	simm.s32 @p1 $0x0  }
0x25: {  	s2 =	smul.u32 s2, s4;
	s4 =	sadd.s32 s27, s26;
	s1 =	ssub.s32 s1, s5  }
0x26: {  	s0 =	sor.u32 $0x8000, s0;
	s3 =	sadd.s32 s3, s4;
	s1 =	sshll.u32 s1, $0x5  }
0x27: {  	s7 =	rddreg [dreg:$0x0];
	s2 =	sand.u32 $0x3FFFFFFF, s2;
	s1 =	sadd.s32 s1, s3  }
0x28: {  	[hbm4b:s1+s30] =	stream.strided.scatter [tilespmem:s0], [sflag:$0x2], s2, s31, s30, $0x20;
	[tilespmem:$0x10100] =	vst v63  }
.LBB1_15:
0x29: {  	p1 =	slt.u32 s10, $0x2;
	s1 =	smov.u32 s18;
	s3 =	smov.u32 s17  }
0x2a: {  	p2 =	sgt.s32 @!p1 s17, $0x40;
	s0 =	sshra.s32 @!p1 s17, $0x1F;
	p3 =	sgt.s32 @!p1 s18, $0xDF  }
0x2b: {  	s2 =	sshra.s32 @!p1 s18, $0x1F;
	s4 =	sshra.s32 @!p1 s16, $0x1F;
	p2 =	por !p2, p1  }
0x2c: {  	s0 =	sand.u32 @!p1 s0, s17;
	p3 =	por !p3, p1;
	s2 =	sand.u32 @!p1 s2, s18  }
0x2d: {  	s1 =	simm.s32 @p3 $0xDF;
	p3 =	sgt.s32 @!p1 s16, $0x80;
	s3 =	simm.s32 @p2 $0x40  }
0x2e: {  	s1 =	ssub.s32 @!p1 s1, s2;
	p3 =	por !p3, p1;
	s2 =	smov.u32 s16  }
0x2f: {  	s4 =	sand.u32 @!p1 s4, s16;
	s0 =	ssub.s32 @!p1 s3, s0;
	s2 =	simm.s32 @p3 $0x80  }
0x30: {  	s3 =	sadd.s32 @!p1 $0xFFFFFF21, s1;
	s1 =	ssub.s32 @!p1 $0xE0, s1;
	s2 =	ssub.s32 @!p1 s2, s4  }
0x31: {  	s4 =	sadd.s32 @!p1 $0xFFFFFFC0, s0;
	p2 =	sgt.s32 @!p1 s3, $0x0;
	s3 =	sadd.s32 @!p1 $0xFFFFFF80, s2  }
0x32: {  	s0 =	ssub.s32 @!p1 $0xC0, s0;
	p2 =	por !p2, p1;
	p3 =	sgt.s32 @!p1 s3, $0x7F  }
0x33: {  	s2 =	ssub.s32 @!p1 $0x100, s2;
	s1 =	simm.s32 @!p2 $0x0;
	p2 =	por !p3, p1  }
0x34: {  	s3 =	sadd.s32 $0x80, s14;
	p3 =	sgt.s32 @!p1 s4, $0x7F;
	s2 =	simm.s32 @!p2 $0x0  }
0x35: {  	p2 =	por !p3, p1;
	s1 =	smul.u32 @!p1 s1, s2;
	s2 =	sadd.s32 $0x80, s13  }
0x36: {  	s4 =	smov.u32 s14;
	s0 =	simm.s32 @!p2 $0x0;
	p2 =	sgt.s32 s2, $0xBF  }
0x37: {  	s0 =	smul.u32 @!p1 s0, s1;
	s4 =	smov.u32 @p2 s3  }
0x38: {  	s1 =	sadd.s32 $0x20, s15;
	s3 =	smov.u32 s15;
	p3 =	sgt.s32 s4, $0xDF  }
0x39: {  	s10 =	sadd.s32 $0x1, s10;
	p0 =	por !p0, !p0;
	s3 =	smov.u32 @p3 s1  }
0x3a: {  	s17 =	smov.u32 s9;
	s2 =	simm.s32 @p2 $0x0;
	p2 =	sgt.s32 s3, $0xDF  }
0x3b: {  	s18 =	smov.u32 s12;
	s3 =	smov.u32 @p2 s8;
	p2 =	sne.s32 s10, $0x1E  }
.Ltmp1:
0x3c: {  	s9 =	smov.u32 s13;
	s12 =	smov.u32 s15;
	(pc) =	sbr.rel @!p2 .LBB1_16-.Ltmp1, $4  }
0x3d: {  	s16 =	smov.u32 s11;
	s0 =	sand.u32 @!p1 $0x3FFFFFFF, s0;
	s1 =	simm.s32 @!p1 $0x2  }
0x3e: {  	s11 =	smov.u32 s14;
	s13 =	smov.u32 s2;
	_ =	swait.ge @!p1 [sflag:s1], s0  }
0x3f: {  	s4 =	simm.s32 @p3 $0x0;
	s0 =	ssub.s32 @!p1 $0x0, s0;
	[sflag:s1] =	ssyncset.done @!p1 $0x0  }
0x40: {  	s14 =	smov.u32 s4;
	[sflag:s1] =	ssyncadd.s32 @!p1 s0;
	s15 =	smov.u32 s3  }
.LBB1_1:
0x41: {  	p1 =	sgt.u32 s10, $0x1B  }
0x42: {  	s2 =	smov.u32 s15;
	s0 =	sshll.u32 @!p1 s14, $0x8;
	s1 =	sshll.u32 @!p1 s13, $0x3  }
0x43: {  	p2 =	sgt.s32 @!p1 s15, $0xDF;
	s3 =	sshra.s32 @!p1 s15, $0x1F;
	s4 =	sshll.u32 @!p1 s14, $0x7  }
0x44: {  	p3 =	sgt.s32 @!p1 s14, $0x60;
	s5 =	sshra.s32 @!p1 s13, $0x1F;
	s0 =	sand.u32 @!p1 $0xFFFFF800, s0  }
0x45: {  	s1 =	sand.u32 @!p1 $0xFFFFFC00, s1;
	p2 =	por !p2, p1;
	s3 =	sand.u32 @!p1 s3, s15  }
0x46: {  	p3 =	por !p3, p1;
	s5 =	sand.u32 @!p1 s5, s13;
	s2 =	simm.s32 @p2 $0xDF  }
0x47: {  	s0 =	sadd.s32 @!p1 s0, s1;
	s1 =	sand.u32 @!p1 $0x300, s4;
	s2 =	ssub.s32 @!p1 s2, s3  }
0x48: {  	s0 =	sor.u32 @!p1 s1, s0;
	s3 =	sshra.s32 @!p1 s14, $0x1F;
	s1 =	sadd.s32 @!p1 $0xFFFFFF21, s2  }
0x49: {  	p2 =	sgt.s32 @!p1 s1, $0x0;
	s1 =	ssub.s32 @!p1 $0xE0, s2;
	s2 =	smov.u32 s14  }
0x4a: {  	s3 =	sand.u32 @!p1 s3, s14;
	s2 =	simm.s32 @p3 $0x60;
	p3 =	sgt.s32 @!p1 s13, $0x80  }
0x4b: {  	s2 =	ssub.s32 @!p1 s2, s3;
	p3 =	por !p3, p1;
	s3 =	smov.u32 s13  }
0x4c: {  	p2 =	por !p2, p1;
	s6 =	sadd.s32 @!p1 $0xFFFFFFA0, s2;
	s3 =	simm.s32 @p3 $0x80  }
0x4d: {  	s1 =	simm.s32 @!p2 $0x0;
	p3 =	sgt.s32 @!p1 s6, $0x7F;
	s3 =	ssub.s32 @!p1 s3, s5  }
0x4e: {  	s2 =	ssub.s32 @!p1 $0xE0, s2;
	p2 =	por !p3, p1;
	s5 =	sadd.s32 @!p1 $0xFFFFFF80, s3  }
0x4f: {  	s0 =	sshrl.u32 @!p1 s0, $0x8;
	s2 =	simm.s32 @!p2 $0x0;
	p2 =	sgt.s32 @!p1 s5, $0x7F  }
0x50: {  	s1 =	smul.u32 @!p1 s1, s2;
	s2 =	ssub.s32 @!p1 $0x100, s3;
	p2 =	por !p2, p1  }
0x51: {  	s3 =	smulhi.u32 @!p1 $0x124924A, s0;
	s2 =	simm.s32 @!p2 $0x0  }
0x52: {  	s4 =	sand.u32 @!p1 $0x80, s4;
	s1 =	smul.u32 @!p1 s2, s1  }
0x53: {  	s5 =	sxor.u32 @!p1 $0xFFFFFFFF, s10;
	s2 =	sand.u32 @!p1 $0x78, s13;
	s3 =	smul.u32 @!p1 $0xE0, s3  }
0x54: {  	s5 =	sshll.u32 @!p1 s5, $0xE;
	s2 =	sor.u32 @!p1 s2, s4;
	s4 =	smul.u32 @!p1 $0x1C00, s15  }
0x55: {  	s5 =	sand.u32 @!p1 $0x4000, s5;
	s0 =	ssub.s32 @!p1 s0, s3;
	s1 =	sand.u32 @!p1 $0x3FFFFFFF, s1  }
0x56: {  	s2 =	sshrl.u32 @!p1 s2, $0x3;
	s3 =	sadd.s32 @!p1 s7, s4;
	s4 =	sand.u32 @!p1 $0x7, s13  }
0x57: {  	s0 =	sshll.u32 @!p1 s0, $0x5;
	s2 =	sadd.s32 @!p1 s2, s3;
	s3 =	sshll.u32 @!p1 s4, $0x12  }
0x58: {  	s0 =	sadd.s32 @!p1 s0, s2;
	s2 =	sor.u32 @!p1 $0x400, s3;
	s3 =	simm.s32 @!p1 $0x800  }
0x59: {  	[tilespmem:s5], [sflag:$0x1] =	stream.strided.gather @!p1 [hbm4b:s0+s2], s1, s3, s2, $0x38;
	[tilespmem:$0x10100] =	vst v63  }
0x5a: {  	p1 =	seq.s32 s10, $0x0  }
0x5b: {  	p2 =	seq.s32 @!p1 s10, $0x1D  }
0x5c: {  	p1 =	por p1, p2  }
.Ltmp2:
0x5d: {  	_ = 	snop;
	(pc) =	sbr.rel @p1 .LBB1_15-.Ltmp2, $1  }
0x5e: {  	_ =	sdelay $0x3  }
0x5f: {  	[dreg:$0xd] =	wrdreg s18  }
0x60: {  	[dreg:$0xc] =	wrdreg s17  }
0x61: {  	[dreg:$0xb] =	wrdreg s16  }
0x62: {  	[dreg:$0xa] =	wrdreg s15  }
0x63: {  	[dreg:$0x9] =	wrdreg s14  }
0x64: {  	[dreg:$0x8] =	wrdreg s13;
	p1 =	sgt.s32 s12, $0xDF;
	s0 =	smov.u32 s12  }
0x65: {  	s1 =	sshra.s32 s12, $0x1F;
	s25 =	ssub.s32 $0x0, s11;
	s2 =	sshra.s32 s11, $0x1F  }
0x66: {  	s3 =	smov.u32 s11;
	p2 =	sgt.s32 s9, $0x80;
	s27 =	ssub.s32 $0x0, s9  }
0x67: {  	s28 =	sshra.s32 s9, $0x1F;
	s0 =	simm.s32 @!p1 $0xDF;
	s1 =	sand.u32 s1, s12  }
0x68: {  	p1 =	sgt.s32 s11, $0x60;
	s29 =	sand.u32 s27, s28;
	s0 =	ssub.s32 s0, s1  }
0x69: {  	s1 =	sand.u32 s25, s2;
	s3 =	simm.s32 @!p1 $0x60;
	s2 =	smov.u32 s9  }
0x6a: {  	s4 =	sadd.s32 $0xFFFFFF21, s0;
	[dreg:$0xf] =	wrdreg s1;
	s1 =	sadd.s32 s1, s3  }
0x6b: {  	s5 =	ssub.s32 $0xE0, s0;
	s2 =	simm.s32 @!p2 $0x80;
	p1 =	sgt.s32 s4, $0x0  }
0x6c: {  	s26 =	sadd.s32 $0xFFFFFFA0, s1;
	s0 =	ssub.s32 $0xE0, s1;
	s1 =	sadd.s32 s29, s2  }
0x6d: {  	[dreg:$0x4] =	wrdreg s9;
	s5 =	simm.s32 @p1 $0x0;
	s2 =	sadd.s32 $0xFFFFFF80, s1  }
0x6e: {  	s1 =	ssub.s32 $0x100, s1;
	p1 =	sgt.s32 s2, $0x7F;
	s2 =	sadd.s32 $0x1, s12  }
0x6f: {  	s3 =	sadd.s32 $0x80, s11;
	s1 =	simm.s32 @p1 $0x0;
	p1 =	slt.s32 s2, $0xE0  }
0x70: {  	p2 =	sgt.s32 s26, $0x7F;
	s2 =	simm.s32 @!p1 $0xE0;
	p1 =	slt.s32 s3, $0xE0  }
0x71: {  	s0 =	simm.s32 @p2 $0x0;
	s20 =	ssub.s32 s2, s12;
	s3 =	simm.s32 @!p1 $0xE0  }
0x72: {  	s0 =	smul.u32 s5, s0;
	s21 =	ssub.s32 s3, s11;
	p1 =	slt.s32 s20, $0x1  }
0x73: {  	[dreg:$0x7] =	wrdreg s12;
	p2 =	slt.s32 @!p1 s21, $0x1  }
0x74: {  	[dreg:$0x6] =	wrdreg s11;
	s0 =	smul.u32 s1, s0;
	p1 =	por p1, p2  }
.Ltmp3:
0x75: {  	[dreg:$0x10] =	wrdreg s29;
	(pc) =	sbr.rel @p1 .LBB1_14-.Ltmp3, $4  }
0x76: {  	s30 =	simm.s32 $0x1;
	[dreg:$0xe] =	wrdreg s5;
	s0 =	sand.u32 $0x3FFFFFFF, s0  }
0x77: {  	s31 =	sand.u32 $0x1, s10;
	_ =	swait.ge [sflag:s30], s0  }
0x78: {  	s0 =	ssub.s32 $0x0, s0;
	[dreg:$0x5] =	wrdreg s10;
	[sflag:s30] =	ssyncset.done $0x0  }
0x79: {  	[dreg:$0x11] =	wrdreg s31;
	[sflag:s30] =	ssyncadd.s32 s0  }
0x7a: {  	s2 =	rddreg [dreg:$0x4]  }
0x7b: {  	s0 =	sadd.s32 $0x80, s2  }
0x7c: {  	p1 =	slt.s32 s0, $0xC0  }
0x7d: {  	s0 =	simm.s32 @!p1 $0xC0  }
0x7e: {  	s1 =	simm.s32 $0x1;
	s0 =	ssub.s32 s0, s2  }
0x7f: {  	s1 =	simm.s32 @!p0 $0x0;
	s0 =	sadd.s32 $0xF, s0  }
0x80: {  	s1 =	smul.u32 $0x10200, s1;
	s22 =	sshrl.u32 s0, $0x8  }
0x81: {  	s3 =	smul.u32 $0x20400, s22  }
.Ltmp4:
0x82: {  	s31 =	rddreg [dreg:$0x11];
	s29 =	simm.s32 $0x0;
	(pc) =	sbr.rel .LBB1_4-.Ltmp4, $4  }
0x83: {  	s30 =	simm.s32 $0x0;
	s25 =	sshll.u32 s31, $0xE;
	s4 =	sshrl.u32 s1, $0x2  }
0x84: {  	s26 =	sadd.s32 $0xF8F0, s4;
	s23 =	sand.u32 $0xFFFFFFF0, s0;
	s1 =	sadd.s32 s1, s3  }
0x85: {  	s24 =	sand.u32 $0xFFFFFF00, s0;
	p1 =	slt.s32 s0, $0x100;
	s1 =	sshra.s32 s1, $0x2  }
0x86: {  	s28 =	sshll.u32 s22, $0xB;
	p2 =	sge.s32 s24, s23;
	s27 =	sadd.s32 $0x8000, s1  }
.LBB1_13:
0x87: {  	s30 =	sadd.s32 $0x1, s30  }
0x88: {  	p3 =	sne.s32 s30, s20  }
.Ltmp5:
0x89: {  	_ = 	snop;
	(pc) =	sbr.rel @!p3 .LBB1_14-.Ltmp5, $2  }
0x8a: {  	_ =	sdelay $0x2  }
0x8b: {  	s29 =	sadd.s32 $0x1, s29  }
.LBB1_4:
.Ltmp6:
0x8c: {  	s0 =	sand.u32 $0x7, s29;
	(pc) =	sbr.rel .LBB1_5-.Ltmp6, $4  }
0x8d: {  	s1 =	sshll.u32 s30, $0x10;
	s0 =	smul.u32 $0x204, s0  }
0x8e: {  	s3 =	simm.s32 $0x0;
	s1 =	sshra.s32 s1, $0x2  }
0x8f: {  	s6 =	simm.s32 $0x0;
	s31 =	sadd.s32 s1, s25;
	s2 =	sshrl.u32 s0, $0x2  }
0x90: {  	s0 =	sadd.s32 s2, s26;
	s1 =	sadd.s32 s2, s27;
	s2 =	simm.s32 $0x0  }
.LBB1_12:
0x91: {  	s2 =	sadd.s32 $0x1, s2  }
0x92: {  	p3 =	sne.s32 s2, s21  }
.Ltmp7:
0x93: {  	_ = 	snop;
	(pc) =	sbr.rel @!p3 .LBB1_13-.Ltmp7, $2  }
0x94: {  	_ =	sdelay $0x2  }
0x95: {  	s6 =	sadd.s32 $0x80, s6;
	s3 =	sadd.s32 $0x1, s3  }
.LBB1_5:
.Ltmp8:
0x96: {  	(pc) =	sbr.rel @p1 .LBB1_9-.Ltmp8, $2  }
0x97: {  	_ =	sdelay $0x2  }
0x98: {  	s5 =	sand.u32 $0x7F, s3;
	s4 =	sshll.u32 s2, $0x7  }
0x99: {  	s14 =	sand.u32 $0x380, s4  }
0x9a: {  	s15 =	sadd.s32 s14, s31  }
0x9b: {  	s13 =	simm.s32 $0x480;
	s16 =	simm.s32 $0x700;
	s17 =	simm.s32 $0x500;
	v0 =	vmov s15  }
0x9c: {  	s19 =	simm.s32 $0x580;
	s22 =	simm.s32 $0x600;
	s10 =	simm.s32 $0x680  }
0x9d: {  	s12 =	sadd.s32 $0x780, s6;
	p3 =	sgt.s32 s24, $0x100;
	s16 =	sand.u32 $0x3C00, s16  }
0x9e: {  	s14 =	simm.s32 $0x780;
	s16 =	sadd.s32 s4, s16;
	s15 =	sand.u32 $0x3C00, s13  }
0x9f: {  	s17 =	sand.u32 $0x3C00, s17;
	s16 =	sand.u32 $0x3C00, s16;
	s15 =	sadd.s32 s4, s15  }
0xa0: {  	s19 =	sand.u32 $0x3C00, s19;
	s17 =	sadd.s32 s4, s17;
	s15 =	sand.u32 $0x3C00, s15;
	v3 =	vld.idx.msk [tilespmem:v0+s16+$0x60 ss:$0x1], $0xffff  }
0xa1: {  	s10 =	sand.u32 $0x3C00, s10;
	s19 =	sadd.s32 s4, s19;
	s8 =	sand.u32 $0x3C00, s17;
	v7 =	vld.idx.msk [tilespmem:v0+s15+$0x10 ss:$0x1], $0xffff  }
0xa2: {  	s7 =	sand.u32 $0x3C00, s22;
	s10 =	sadd.s32 s4, s10;
	s11 =	sand.u32 $0x3C00, s19;
	v1 =	vld.idx.msk [tilespmem:v0+s8+$0x20 ss:$0x1], $0xffff  }
.Ltmp9:
0xa3: {  	s9 =	sadd.s32 s4, s7;
	s10 =	sand.u32 $0x3C00, s10;
	v6 =	vld.idx.msk [tilespmem:v0+s11+$0x30 ss:$0x1], $0xffff;
	(pc) =	sbr.rel @!p3 .LBB1_8-.Ltmp9, $4  }
0xa4: {  	s13 =	sadd.s32 $0xFFFFF880, s12;
	s14 =	sand.u32 $0x3C00, s14;
	s16 =	sand.u32 $0x3C00, s9;
	v2 =	vld.idx.msk [tilespmem:v0+s10+$0x50 ss:$0x1], $0xffff  }
0xa5: {  	s18 =	sadd.s32 s5, s0;
	s17 =	sand.u32 $0x3C00, s13;
	s14 =	sadd.s32 s4, s14;
	v4 =	vld.idx.msk [tilespmem:v0+s16+$0x40 ss:$0x1], $0xffff  }
0xa6: {  	s22 =	simm.s32 $0x100;
	s19 =	sadd.s32 $0xFFFFFC80, s12;
	s14 =	sand.u32 $0x3C00, s14;
	v5 =	vld.idx.msk [tilespmem:v0+s17+$0x10 ss:$0x1], $0xffff;
	[tilespmem:s18+$0xFFFFF7F0 ss:$0x81] =	vst.msk $0xffff, v3  }
0xa7: {  	s15 =	simm.s32 $0xF80;
	s16 =	sand.u32 $0x3C00, s19;
	s19 =	smov.u32 s18;
	v3 =	vld.idx.msk [tilespmem:v0+s17+$0x0 ss:$0x1], $0xffff;
	[tilespmem:s18+$0xFFFFCFA0 ss:$0x81] =	vst.msk $0xffff, v7  }
.LBB1_7:
0xa8: {  	s10 =	sadd.s32 $0xFFFFFD00, s15;
	s7 =	sadd.s32 $0xFFFFFF80, s15;
	s22 =	sadd.s32 $0x100, s22;
	v7 =	vld.idx.msk [tilespmem:v0+s17+$0x20 ss:$0x1], $0xffff;
	[tilespmem:s18+$0xFFFFD7B0 ss:$0x81] =	vst.msk $0xffff, v1  }
0xa9: {  	s9 =	sadd.s32 $0xFFFFFD80, s15;
	s7 =	sand.u32 $0x3C00, s7;
	p3 =	slt.s32 s22, s24;
	v1 =	vld.idx.msk [tilespmem:v0+s17+$0x30 ss:$0x1], $0xffff;
	[tilespmem:s18+$0xFFFFDFC0 ss:$0x81] =	vst.msk $0xffff, v6  }
0xaa: {  	s13 =	sadd.s32 $0xFFFFFE00, s15;
	s11 =	sadd.s32 $0xFFFFFE80, s15;
	s7 =	sadd.s32 s4, s7;
	v6 =	vld.idx.msk [tilespmem:v0+s17+$0x40 ss:$0x1], $0xffff;
	[tilespmem:s18+$0xFFFFE7D0 ss:$0x81] =	vst.msk $0xffff, v4  }
0xab: {  	s12 =	sadd.s32 $0xFFFFFF00, s15;
	s10 =	sand.u32 $0x3C00, s10;
	s7 =	sand.u32 $0x3C00, s7;
	v4 =	vld.idx.msk [tilespmem:v0+s17+$0x50 ss:$0x1], $0xffff;
	[tilespmem:s18+$0xFFFFEFE0 ss:$0x81] =	vst.msk $0xffff, v2  }
0xac: {  	s9 =	sand.u32 $0x3C00, s9;
	s13 =	sand.u32 $0x3C00, s13;
	s11 =	sand.u32 $0x3C00, s11;
	v2 =	vld.idx.msk [tilespmem:v0+s7+$0x60 ss:$0x1], $0xffff;
	[tilespmem:s18+$0xFFFF8710 ss:$0x81] =	vst.msk $0xffff, v3  }
0xad: {  	s8 =	sand.u32 $0x3C00, s15;
	s12 =	sand.u32 $0x3C00, s12;
	s7 =	sadd.s32 s15, s6;
	[tilespmem:s18+$0xFFFF8F20 ss:$0x81] =	vst.msk $0xffff, v5;
	v3 =	vld.idx.msk [tilespmem:v0+s17+$0x60 ss:$0x1], $0xffff  }
0xae: {  	s10 =	sadd.s32 s4, s10;
	s9 =	sadd.s32 s4, s9;
	s13 =	sadd.s32 s4, s13;
	[tilespmem:s18+$0xFFFF9730 ss:$0x81] =	vst.msk $0xffff, v7;
	v5 =	vld.idx.msk [tilespmem:v0+s17+$0x70 ss:$0x1], $0xffff  }
0xaf: {  	s11 =	sadd.s32 s4, s11;
	s12 =	sadd.s32 s4, s12;
	s17 =	sadd.s32 $0xFFFFF880, s7;
	[tilespmem:s18+$0xFFFF9F40 ss:$0x81] =	vst.msk $0xffff, v1;
	v7 =	vld.idx.msk [tilespmem:v0+s16+$0x0 ss:$0x1], $0xffff  }
0xb0: {  	s8 =	sadd.s32 s4, s8;
	s10 =	sand.u32 $0x3C00, s10;
	s7 =	sadd.s32 $0xFFFFFC80, s7;
	[tilespmem:s18+$0xFFFFA750 ss:$0x81] =	vst.msk $0xffff, v6;
	v8 =	vld.idx.msk [tilespmem:v0+s14+$0x70 ss:$0x1], $0xffff  }
0xb1: {  	s9 =	sand.u32 $0x3C00, s9;
	s18 =	sadd.s32 $0x8100, s18;
	v9 =	vld.idx.msk [tilespmem:v0+s10+$0x10 ss:$0x1], $0xffff;
	s10 =	sand.u32 $0x3C00, s13;
	[tilespmem:s19+$0xFFFFAF60 ss:$0x81] =	vst.msk $0xffff, v4  }
0xb2: {  	s17 =	sand.u32 $0x3C00, s17;
	v1 =	vld.idx.msk [tilespmem:v0+s9+$0x20 ss:$0x1], $0xffff;
	s9 =	sand.u32 $0x3C00, s11;
	s11 =	sand.u32 $0x3C00, s12;
	[tilespmem:s18+$0xFFFFF7F0 ss:$0x81] =	vst.msk $0xffff, v2  }
.Ltmp10:
0xb3: {  	s16 =	sand.u32 $0x3C00, s7;
	s14 =	sand.u32 $0x3C00, s8;
	v6 =	vld.idx.msk [tilespmem:v0+s10+$0x30 ss:$0x1], $0xffff;
	[tilespmem:s19+$0xFFFFB770 ss:$0x81] =	vst.msk $0xffff, v3;
	(pc) =	sbr.rel @p3 .LBB1_7-.Ltmp10, $4  }
0xb4: {  	v4 =	vld.idx.msk [tilespmem:v0+s9+$0x40 ss:$0x1], $0xffff;
	[tilespmem:s19+$0xFFFFBF80 ss:$0x81] =	vst.msk $0xffff, v5  }
0xb5: {  	v2 =	vld.idx.msk [tilespmem:v0+s11+$0x50 ss:$0x1], $0xffff;
	[tilespmem:s19+$0xFFFFC790 ss:$0x81] =	vst.msk $0xffff, v7  }
0xb6: {  	v3 =	vld.idx.msk [tilespmem:v0+s17+$0x0 ss:$0x1], $0xffff;
	[tilespmem:s19+$0x0 ss:$0x81] =	vst.msk $0xffff, v8;
	s19 =	smov.u32 s18  }
0xb7: {  	s15 =	sadd.s32 $0x800, s15;
	v5 =	vld.idx.msk [tilespmem:v0+s17+$0x10 ss:$0x1], $0xffff;
	[tilespmem:s18+$0xFFFFCFA0 ss:$0x81] =	vst.msk $0xffff, v9  }
.LBB1_8:
0xb8: {  	_ =	sdelay $0x2  }
0xb9: {  	[tilespmem:s18+$0xFFFFD7B0 ss:$0x81] =	vst.msk $0xffff, v1  }
0xba: {  	v56 =	vld.idx.msk [tilespmem:v0+s17+$0x20 ss:$0x1], $0xffff;
	[tilespmem:s18+$0xFFFFDFC0 ss:$0x81] =	vst.msk $0xffff, v6  }
0xbb: {  	v57 =	vld.idx.msk [tilespmem:v0+s17+$0x30 ss:$0x1], $0xffff;
	[tilespmem:s18+$0xFFFFE7D0 ss:$0x81] =	vst.msk $0xffff, v4  }
0xbc: {  	v58 =	vld.idx.msk [tilespmem:v0+s17+$0x40 ss:$0x1], $0xffff;
	[tilespmem:s18+$0xFFFFEFE0 ss:$0x81] =	vst.msk $0xffff, v2  }
0xbd: {  	v59 =	vld.idx.msk [tilespmem:v0+s17+$0x50 ss:$0x1], $0xffff;
	[tilespmem:s18+$0xFFFF8710 ss:$0x81] =	vst.msk $0xffff, v3  }
0xbe: {  	v60 =	vld.idx.msk [tilespmem:v0+s17+$0x60 ss:$0x1], $0xffff;
	[tilespmem:s18+$0xFFFF8F20 ss:$0x81] =	vst.msk $0xffff, v5  }
0xbf: {  	v61 =	vld.idx.msk [tilespmem:v0+s17+$0x70 ss:$0x1], $0xffff;
	[tilespmem:s18+$0xFFFF9730 ss:$0x81] =	vst.msk $0xffff, v56  }
0xc0: {  	v62 =	vld.idx.msk [tilespmem:v0+s16+$0x0 ss:$0x1], $0xffff;
	[tilespmem:s18+$0xFFFF9F40 ss:$0x81] =	vst.msk $0xffff, v57  }
0xc1: {  	v63 =	vld.idx.msk [tilespmem:v0+s14+$0x70 ss:$0x1], $0xffff;
	[tilespmem:s18+$0xFFFFA750 ss:$0x81] =	vst.msk $0xffff, v58  }
0xc2: {  	[tilespmem:s19+$0xFFFFAF60 ss:$0x81] =	vst.msk $0xffff, v59  }
0xc3: {  	[tilespmem:s19+$0xFFFFB770 ss:$0x81] =	vst.msk $0xffff, v60  }
0xc4: {  	[tilespmem:s19+$0xFFFFBF80 ss:$0x81] =	vst.msk $0xffff, v61  }
0xc5: {  	[tilespmem:s19+$0xFFFFC790 ss:$0x81] =	vst.msk $0xffff, v62  }
0xc6: {  	[tilespmem:s19+$0x0 ss:$0x81] =	vst.msk $0xffff, v63  }
.LBB1_9:
.Ltmp11:
0xc7: {  	(pc) =	sbr.rel @p2 .LBB1_12-.Ltmp11, $1  }
0xc8: {  	_ =	sdelay $0x3  }
0xc9: {  	s14 =	sand.u32 $0x380, s4;
	s5 =	sadd.s32 s5, s1  }
0xca: {  	s15 =	smov.u32 s28;
	s16 =	smov.u32 s24;
	s14 =	sadd.s32 s14, s31  }
.LBB1_11:
0xcb: {  	s7 =	sand.u32 $0x3C00, s15  }
0xcc: {  	s7 =	sadd.s32 s4, s7  }
0xcd: {  	s7 =	sand.u32 $0x3C00, s7  }
0xce: {  	s8 =	sand.u32 $0x70, s16;
	s7 =	sadd.s32 s7, s14  }
0xcf: {  	s16 =	sadd.s32 $0x10, s16;
	s7 =	sadd.s32 s8, s7  }
0xd0: {  	p3 =	slt.s32 s16, s23;
	v0 =	vld [tilespmem:s7+$0x0]  }
.Ltmp12:
0xd1: {  	_ = 	snop;
	(pc) =	sbr.rel @p3 .LBB1_11-.Ltmp12, $2  }
0xd2: {  	_ =	sdelay $0x2  }
0xd3: {  	s15 =	sadd.s32 $0x80, s15;
	[tilespmem:s5+$0x0 ss:$0x81] =	vst.msk $0xffff, v0;
	s5 =	sadd.s32 $0x810, s5  }
.Ltmp13:
0xd4: {  	_ = 	snop;
	(pc) =	sbr.rel .LBB1_12-.Ltmp13, $1  }
0xd5: {  	_ =	sdelay $0x3  }
.LBB1_16:
0xd6: {  	_ =	sfence.sel $0x180000  }
0xd7: {  	s0 =	simm.s32 $0x1;
	[bflag:$0x0] =	sbarrier.arrive $0xFFFF  }
0xd8: {  	s30 =	simm.s32 $0x2;
	[sflag:s0] =	ssyncpa.u1 $0x1  }
0xd9: {  	[sflag:s30] =	ssyncpa.u1 $0x1  }
0xda: {  	_ =	strace $0x90000047  }
0xdb: {  	s31 =	stileid.u32;
	[bflag:$0x2] =	sbarrier.arrive $0xFFFF  }
0xdc: {  	p0 =	sne.s32 s31, $0x0;
	s0 =	rddreg [dreg:$0x2]  }
0xdd: {  	s0 =	sadd.s32 @!p0 $0x100000, s0  }
0xde: {  	[sflag:s0] =	ssyncadd.tile.s32 @!p0 $0x1;
	_ =	shalt  }
.Lfunc_end1:
_tile_overlayer_lowered:
.L_overlay_start_2:
0xdf: {  	(tag) =	ssettag $0x2  }
0xe0: {  	s0 =	rddreg [dreg:$0x0];
	s2 =	stileid.u32  }
0xe1: {  	s1 =	rddreg [dreg:$0x1];
	p0 =	sne.s32 s2, $0x0  }
0xe2: {  	s3 =	rddreg [dreg:$0x2];
	[bflag:$0x3] =	sbarrier.arrive $0xFFFF;
	s2 =	simm.s32 @!p0 $0x1C01  }
0xe3: {  	[timem:s3], [sflag:s2] =	dma.local @!p0 [hbm:s0], s1  }
0xe4: {  	s0 =	simm.s32 @!p0 $0x1  }
0xe5: {  	_ =	swait.ge @!p0 [sflag:s0], s1  }
0xe6: {  	s1 =	ssub.s32 @!p0 $0x0, s1;
	[sflag:s0] =	ssyncset.done @!p0 $0x0  }
0xe7: {  	[sflag:s0] =	ssyncadd.s32 @!p0 s1  }
0xe8: {  	[bflag:$0x3] =	sbarrier.arrive $0xFFFF  }
0xe9: {  	_ =	shalt  }

</sc_bundles>
